<compile_context>
chip_gen: v7x
topology: tpu7x:2x2x1
jax: 0.10.2.dev20260603
libtpu: 0.0.44.dev20260713+nightly
codegen_flags: <defaults>
</compile_context>

<pallas_src>
import functools

import jax
import jax.numpy as jnp
from jax import lax
from jax.experimental import pallas as pl
from jax.experimental.pallas import tpu as pltpu
from jax.experimental.pallas import tpu_sc as plsc

_N = 10000
_E = 320000
_D = 128
_NC = 2
_NS = 16
_NW = _NC * _NS
_EPW = _E // _NW
_CH = 80
_NCHUNK = _EPW // _CH
_NP = 10240
_RPT = _NP // _NS

_mesh = plsc.VectorSubcoreMesh(core_axis_name="c", subcore_axis_name="s")


@functools.partial(
    pl.kernel,
    mesh=_mesh,
    out_type=jax.ShapeDtypeStruct((_NC, _NP, _D), jnp.float32),
    scratch_types=[
        pltpu.VMEM_SHARED((_NP, _D), jnp.float32),
        pltpu.VMEM((2, _CH), jnp.int32),
        pltpu.VMEM((2, _CH), jnp.int32),
        pltpu.VMEM((_CH, _D), jnp.float32),
        pltpu.SemaphoreType.DMA,
        pltpu.SemaphoreType.DMA,
    ],
)
def _deg_kernel(ep_hbm, ones_hbm, zer_hbm, out_hbm,
                deg_sh, idx0, idx1, onesv, sma, smb):
    cid = lax.axis_index("c")
    sid = lax.axis_index("s")
    wid = sid * _NC + cid
    pltpu.sync_copy(ones_hbm, onesv)
    pltpu.sync_copy(zer_hbm, deg_sh.at[pl.ds(sid * _RPT, _RPT)])
    plsc.subcore_barrier()
    pltpu.sync_copy(ep_hbm.at[wid, 0], idx0)
    pltpu.make_async_copy(ep_hbm.at[wid, 1], idx1, smb).start()

    def body(i, carry):
        a = 2 * i
        pltpu.sync_copy(onesv, deg_sh.at[idx0.at[1]], add=True)
        pltpu.make_async_copy(ep_hbm.at[wid, a + 2], idx0, sma).start()
        pltpu.make_async_copy(ep_hbm.at[wid, a + 1], idx1, smb).wait()
        pltpu.sync_copy(onesv, deg_sh.at[idx1.at[1]], add=True)
        pltpu.make_async_copy(ep_hbm.at[wid, a + 3], idx1, smb).start()
        pltpu.make_async_copy(ep_hbm.at[wid, a + 2], idx0, sma).wait()
        return carry

    lax.fori_loop(0, (_NCHUNK - 1) // 2, body, 0)
    pltpu.sync_copy(onesv, deg_sh.at[idx0.at[1]], add=True)
    pltpu.make_async_copy(ep_hbm.at[wid, _NCHUNK], idx1, smb).wait()
    plsc.subcore_barrier()
    pltpu.sync_copy(deg_sh.at[pl.ds(sid * _RPT, _RPT)],
                    out_hbm.at[cid, pl.ds(sid * _RPT, _RPT)])


@functools.partial(
    pl.kernel,
    mesh=_mesh,
    out_type=jax.ShapeDtypeStruct((_NC, _NP, _D), jnp.float32),
    scratch_types=[
        pltpu.VMEM_SHARED((_NP, _D), jnp.float32),
        pltpu.VMEM((2, _CH), jnp.int32),
        pltpu.VMEM((2, _CH), jnp.int32),
        pltpu.VMEM((_CH, _D), jnp.float32),
        pltpu.VMEM((_CH, _D), jnp.float32),
        pltpu.SemaphoreType.DMA,
        pltpu.SemaphoreType.DMA,
        pltpu.SemaphoreType.DMA,
        pltpu.SemaphoreType.DMA,
    ],
)
def _scat_kernel(y_hbm, ep_hbm, zer_hbm, out_hbm,
                 acc_sh, idx0, idx1, rows0, rows1, gsa, gsb, sia, sib):
    cid = lax.axis_index("c")
    sid = lax.axis_index("s")
    wid = sid * _NC + cid
    pltpu.sync_copy(zer_hbm, acc_sh.at[pl.ds(sid * _RPT, _RPT)])
    plsc.subcore_barrier()
    pltpu.sync_copy(ep_hbm.at[wid, 0], idx0)
    pltpu.make_async_copy(y_hbm.at[idx0.at[0]], rows0, gsa).start()
    pltpu.sync_copy(ep_hbm.at[wid, 1], idx1)

    def body(i, carry):
        a = 2 * i
        pltpu.make_async_copy(y_hbm.at[idx1.at[0]], rows1, gsb).start()
        pltpu.make_async_copy(y_hbm.at[idx0.at[0]], rows0, gsa).wait()
        pltpu.sync_copy(rows0, acc_sh.at[idx0.at[1]], add=True)
        pltpu.make_async_copy(ep_hbm.at[wid, a + 2], idx0, sia).start()
        pltpu.make_async_copy(y_hbm.at[idx1.at[0]], rows1, gsb).wait()
        pltpu.sync_copy(rows1, acc_sh.at[idx1.at[1]], add=True)
        pltpu.make_async_copy(ep_hbm.at[wid, a + 3], idx1, sib).start()
        pltpu.make_async_copy(ep_hbm.at[wid, a + 2], idx0, sia).wait()
        pltpu.make_async_copy(y_hbm.at[idx0.at[0]], rows0, gsa).start()
        pltpu.make_async_copy(ep_hbm.at[wid, a + 3], idx1, sib).wait()
        return carry

    lax.fori_loop(0, (_NCHUNK - 1) // 2, body, 0)
    pltpu.make_async_copy(y_hbm.at[idx0.at[0]], rows0, gsa).wait()
    pltpu.sync_copy(rows0, acc_sh.at[idx0.at[1]], add=True)
    plsc.subcore_barrier()
    pltpu.sync_copy(acc_sh.at[pl.ds(sid * _RPT, _RPT)],
                    out_hbm.at[cid, pl.ds(sid * _RPT, _RPT)])


_BLK = 1000
_NBLK = _N // _BLK


def _leaky(v):
    return jnp.where(v > 0, v, 0.01 * v)


def _tc1_body(pose_ref, degp_ref, w1_ref, b1_ref, w2_ref, b2_ref, wg1_ref,
              y1_ref, dinv_ref):
    deg = degp_ref[0, :, 0:1] + degp_ref[1, :, 0:1] + 1.0
    dinv = lax.rsqrt(deg)
    x = jnp.dot(pose_ref[...], w1_ref[...],
                preferred_element_type=jnp.float32) + b1_ref[...]
    x = _leaky(x)
    x = jnp.dot(x, w2_ref[...],
                preferred_element_type=jnp.float32) + b2_ref[...]
    y1_ref[...] = dinv * jnp.dot(x, wg1_ref[...],
                                 preferred_element_type=jnp.float32)
    dinv_ref[...] = lax.broadcast_in_dim(dinv, (_BLK, 8), (0, 1))


_tc1 = pl.pallas_call(
    _tc1_body,
    grid=(_NBLK,),
    in_specs=[
        pl.BlockSpec((_BLK, _D), lambda i: (i, 0)),
        pl.BlockSpec((_NC, _BLK, _D), lambda i: (0, i, 0)),
        pl.BlockSpec((_D, _D), lambda i: (0, 0)),
        pl.BlockSpec((1, _D), lambda i: (0, 0)),
        pl.BlockSpec((_D, _D), lambda i: (0, 0)),
        pl.BlockSpec((1, _D), lambda i: (0, 0)),
        pl.BlockSpec((_D, _D), lambda i: (0, 0)),
    ],
    out_specs=[
        pl.BlockSpec((_BLK, _D), lambda i: (i, 0)),
        pl.BlockSpec((_BLK, 8), lambda i: (i, 0)),
    ],
    out_shape=[
        jax.ShapeDtypeStruct((_N, _D), jnp.float32),
        jax.ShapeDtypeStruct((_N, 8), jnp.float32),
    ],
)


def _tc2_body(accp_ref, y1_ref, dinv_ref, bg1_ref, wg2_ref, y2_ref):
    dinv = dinv_ref[:, 0:1]
    a = accp_ref[0] + accp_ref[1] + y1_ref[...]
    h = _leaky(dinv * a + bg1_ref[...])
    y2_ref[...] = dinv * jnp.dot(h, wg2_ref[...],
                                 preferred_element_type=jnp.float32)


_tc2 = pl.pallas_call(
    _tc2_body,
    grid=(_NBLK,),
    in_specs=[
        pl.BlockSpec((_NC, _BLK, _D), lambda i: (0, i, 0)),
        pl.BlockSpec((_BLK, _D), lambda i: (i, 0)),
        pl.BlockSpec((_BLK, 8), lambda i: (i, 0)),
        pl.BlockSpec((1, _D), lambda i: (0, 0)),
        pl.BlockSpec((_D, _D), lambda i: (0, 0)),
    ],
    out_specs=pl.BlockSpec((_BLK, _D), lambda i: (i, 0)),
    out_shape=jax.ShapeDtypeStruct((_N, _D), jnp.float32),
)


def _tc3_body(accp_ref, y2_ref, dinv_ref, bg2_ref, out_ref):
    i = pl.program_id(0)
    dinv = dinv_ref[:, 0:1]
    a = accp_ref[0] + accp_ref[1] + y2_ref[...]
    h = _leaky(dinv * a + bg2_ref[...])
    s = jnp.sum(h, axis=0, keepdims=True) * (1.0 / _N)

    @pl.when(i == 0)
    def _():
        out_ref[...] = s

    @pl.when(i != 0)
    def _():
        out_ref[...] = out_ref[...] + s


_tc3 = pl.pallas_call(
    _tc3_body,
    grid=(_NBLK,),
    in_specs=[
        pl.BlockSpec((_NC, _BLK, _D), lambda i: (0, i, 0)),
        pl.BlockSpec((_BLK, _D), lambda i: (i, 0)),
        pl.BlockSpec((_BLK, 8), lambda i: (i, 0)),
        pl.BlockSpec((1, _D), lambda i: (0, 0)),
    ],
    out_specs=pl.BlockSpec((1, _D), lambda i: (0, 0)),
    out_shape=jax.ShapeDtypeStruct((1, _D), jnp.float32),
)


def kernel(pose, edge_index, W1, b1, W2, b2, Wg1, bg1, Wg2, bg2):
    src = edge_index[0].reshape(_NW, _NCHUNK, _CH)
    dst = edge_index[1].reshape(_NW, _NCHUNK, _CH)
    ep = jnp.pad(jnp.stack([src, dst], axis=2),
                 ((0, 0), (0, 3), (0, 0), (0, 0)))
    b1r = b1.reshape(1, _D)
    b2r = b2.reshape(1, _D)
    bg1r = bg1.reshape(1, _D)
    bg2r = bg2.reshape(1, _D)
    ones_deg = jnp.ones((_CH, _D), jnp.float32)
    zer_row = jnp.zeros((_RPT, _D), jnp.float32)

    degp = _deg_kernel(ep, ones_deg, zer_row)
    y1, dinv8 = _tc1(pose, degp, W1, b1r, W2, b2r, Wg1)
    accp1 = _scat_kernel(y1, ep, zer_row)
    y2 = _tc2(accp1, y1, dinv8, bg1r, Wg2)
    accp2 = _scat_kernel(y2, ep, zer_row)
    g = _tc3(accp2, y2, dinv8, bg2r)
    return g

# --- scband reference (transcript-rebuilt; emitter-appended) ---
"""Pipeline reference for scband-shape-embedding-21655225106935 (READ-ONLY COPY).

The authoritative reference and input builder live on the scoring server;
editing this copy changes nothing except your own understanding.
"""

import jax, jax.numpy as jnp
import numpy as np

N = 10000
E = 320000
D = 128


def setup_inputs(seed: int = 0) -> dict:
    key = jax.random.key(seed)
    ks = jax.random.split(key, 12)
    pose = jax.random.normal(ks[0], (N, D), dtype=jnp.float32)
    edge_index = jax.random.randint(ks[1], (2, E), 0, N, dtype=jnp.int32)
    s = 0.05
    W1 = jax.random.normal(ks[2], (D, D), dtype=jnp.float32) * s
    b1 = jnp.zeros((D,), dtype=jnp.float32)
    W2 = jax.random.normal(ks[3], (D, D), dtype=jnp.float32) * s
    b2 = jnp.zeros((D,), dtype=jnp.float32)
    Wg1 = jax.random.normal(ks[4], (D, D), dtype=jnp.float32) * s
    bg1 = jnp.zeros((D,), dtype=jnp.float32)
    Wg2 = jax.random.normal(ks[5], (D, D), dtype=jnp.float32) * s
    bg2 = jnp.zeros((D,), dtype=jnp.float32)
    return {"pose": pose, "edge_index": edge_index, "W1": W1, "b1": b1, "W2": W2, "b2": b2, "Wg1": Wg1, "bg1": bg1, "Wg2": Wg2, "bg2": bg2}


def _gcn_conv(x, edge_index, W, b):
    # PyG GCNConv: add self-loops, symmetric normalization D^-1/2 (A+I) D^-1/2 X W + b
    n = x.shape[0]
    loop = jnp.arange(n, dtype=edge_index.dtype)
    src = jnp.concatenate([edge_index[0], loop])
    dst = jnp.concatenate([edge_index[1], loop])
    deg = jnp.zeros((n,), dtype=x.dtype).at[dst].add(1.0)
    dinv = jnp.where(deg > 0, 1.0 / jnp.sqrt(deg), 0.0)
    norm = dinv[src] * dinv[dst]
    xw = x @ W
    msgs = jnp.take(xw, src, axis=0) * norm[:, None]
    out = jnp.zeros((n, W.shape[1]), dtype=x.dtype).at[dst].add(msgs)
    return out + b


def reference(pose, edge_index, W1, b1, W2, b2, Wg1, bg1, Wg2, bg2):
    # RefineNetwork: Linear -> leaky_relu -> Linear
    x = pose @ W1 + b1
    x = jax.nn.leaky_relu(x, negative_slope=0.01)
    x = x @ W2 + b2
    # RelationNetwork: two GCNConv layers each followed by leaky_relu
    x = _gcn_conv(x, edge_index, Wg1, bg1)
    x = jax.nn.leaky_relu(x, negative_slope=0.01)
    x = _gcn_conv(x, edge_index, Wg2, bg2)
    x = jax.nn.leaky_relu(x, negative_slope=0.01)
    # MeanAggregation over all nodes (single graph)
    g = jnp.mean(x, axis=0, keepdims=True)
    return g.reshape(-1, D)

if __name__ == "__main__":
    import jax
    _d = setup_inputs()
    print(jax.jit(kernel)(*tuple(_d.values())))

</pallas_src>

<mosaic_0001>
#map = affine_map<(d0, d1) -> (0, 0, 0, 0)>
#map1 = affine_map<(d0, d1) -> (0, 0)>
#map2 = affine_map<(d0, d1) -> (0, 0, 0)>
module attributes {stable_mosaic.version = 14 : i64} {
  func.func @_deg_kernel(%arg0: i32, %arg1: i32, %arg2: memref<32x128x2x80xi32, #tpu.memory_space<hbm>>, %arg3: memref<80x128xf32, #tpu.memory_space<hbm>>, %arg4: memref<640x128xf32, #tpu.memory_space<hbm>>, %arg5: memref<2x10240x128xf32, #tpu.memory_space<hbm>>, %arg6: memref<10240x128xf32, #tpu.memory_space<vmem_shared>>, %arg7: memref<2x80xi32, #tpu.memory_space<vmem>>, %arg8: memref<2x80xi32, #tpu.memory_space<vmem>>, %arg9: memref<80x128xf32, #tpu.memory_space<vmem>>, %arg10: memref<!tpu.dma_semaphore, #tpu.memory_space<semaphore_mem>>, %arg11: memref<!tpu.dma_semaphore, #tpu.memory_space<semaphore_mem>>) attributes {dimension_semantics = [#tpu.dimension_semantics<core_parallel>, #tpu.dimension_semantics<subcore_parallel>], iteration_bounds = array<i64: 2, 16>, scalar_prefetch = 0 : i64, scratch_operands = 6 : i64, tpu.core_type = #tpu.core_type<sc_vector_subcore>, window_params = [{transform_indices = #map}, {transform_indices = #map1}, {transform_indices = #map1}, {transform_indices = #map2}]} {
    %mul3A = arith.constant 2 : i32
    %mul3A_0 = arith.muli %arg1, %mul3A : i32
    %add3A = arith.addi %mul3A_0, %arg0 : i32
    "tpu.region"() ({
      %run_scoped3A_30 = tpu.sem_alloc : memref<!tpu.dma_semaphore, #tpu.memory_space<semaphore_mem>>
      tpu.enqueue_dma source(%arg3 : memref<80x128xf32, #tpu.memory_space<hbm>>) target(%arg9 : memref<80x128xf32, #tpu.memory_space<vmem>>) target_semaphore(%run_scoped3A_30 : memref<!tpu.dma_semaphore, #tpu.memory_space<semaphore_mem>>)
      tpu.wait_dma2 semaphore(%run_scoped3A_30 : memref<!tpu.dma_semaphore, #tpu.memory_space<semaphore_mem>>) src(%arg3 : memref<80x128xf32, #tpu.memory_space<hbm>>) dst(%arg9 : memref<80x128xf32, #tpu.memory_space<vmem>>)
      tpu.yield
    }) : () -> ()
    %mul3A_1 = arith.constant 640 : i32
    %mul3A_2 = arith.muli %arg1, %mul3A_1 : i32
    "tpu.region"() ({
      %run_scoped3A_30 = tpu.sem_alloc : memref<!tpu.dma_semaphore, #tpu.memory_space<semaphore_mem>>
      %dma_start3A_31 = arith.constant 0 : i32
      %dma_start3A_32 = tpu.memref_slice %arg6[%mul3A_2, %dma_start3A_31] : memref<10240x128xf32, #tpu.memory_space<vmem_shared>> -> memref<640x128xf32, #tpu.memory_space<vmem_shared>>
      tpu.enqueue_dma source(%arg4 : memref<640x128xf32, #tpu.memory_space<hbm>>) target(%dma_start3A_32 : memref<640x128xf32, #tpu.memory_space<vmem_shared>>) target_semaphore(%run_scoped3A_30 : memref<!tpu.dma_semaphore, #tpu.memory_space<semaphore_mem>>)
      %dma_wait3A_33 = arith.constant 0 : i32
      %dma_wait3A_34 = tpu.memref_slice %arg6[%mul3A_2, %dma_wait3A_33] : memref<10240x128xf32, #tpu.memory_space<vmem_shared>> -> memref<640x128xf32, #tpu.memory_space<vmem_shared>>
      tpu.wait_dma2 semaphore(%run_scoped3A_30 : memref<!tpu.dma_semaphore, #tpu.memory_space<semaphore_mem>>) src(%arg4 : memref<640x128xf32, #tpu.memory_space<hbm>>) dst(%dma_wait3A_34 : memref<640x128xf32, #tpu.memory_space<vmem_shared>>)
      tpu.yield
    }) : () -> ()
    %barrier3A = arith.constant 0 : index
    tpu.barrier barrier_id(%barrier3A)
    %run_scoped3A = arith.constant 0 : i32
    "tpu.region"() ({
      %run_scoped3A_30 = tpu.sem_alloc : memref<!tpu.dma_semaphore, #tpu.memory_space<semaphore_mem>>
      %dma_start3A_31 = arith.constant 0 : i32
      %dma_start3A_32 = arith.constant 0 : i32
      %dma_start3A_33 = tpu.memref_slice %arg2[%add3A, %run_scoped3A, %dma_start3A_31, %dma_start3A_32] : memref<32x128x2x80xi32, #tpu.memory_space<hbm>> -> memref<1x1x2x80xi32, #tpu.memory_space<hbm>>
      %dma_start3A_34 = tpu.memref_squeeze %dma_start3A_33 : memref<1x1x2x80xi32, #tpu.memory_space<hbm>> -> memref<2x80xi32, #tpu.memory_space<hbm>>
      %dma_start3A_35 = arith.constant 0 : i32
      %dma_start3A_36 = arith.constant 0 : i32
      %dma_start3A_37 = tpu.memref_slice %arg2[%add3A, %run_scoped3A, %dma_start3A_35, %dma_start3A_36] : memref<32x128x2x80xi32, #tpu.memory_space<hbm>> -> memref<1x1x2x80xi32, #tpu.memory_space<hbm>>
      %dma_start3A_38 = tpu.memref_squeeze %dma_start3A_37 : memref<1x1x2x80xi32, #tpu.memory_space<hbm>> -> memref<2x80xi32, #tpu.memory_space<hbm>>
      tpu.enqueue_dma source(%dma_start3A_38 : memref<2x80xi32, #tpu.memory_space<hbm>>) target(%arg7 : memref<2x80xi32, #tpu.memory_space<vmem>>) target_semaphore(%run_scoped3A_30 : memref<!tpu.dma_semaphore, #tpu.memory_space<semaphore_mem>>)
      %dma_wait3A_39 = arith.constant 0 : i32
      %dma_wait3A_40 = arith.constant 0 : i32
      %dma_wait3A_41 = tpu.memref_slice %arg2[%add3A, %run_scoped3A, %dma_wait3A_39, %dma_wait3A_40] : memref<32x128x2x80xi32, #tpu.memory_space<hbm>> -> memref<1x1x2x80xi32, #tpu.memory_space<hbm>>
      %dma_wait3A_42 = tpu.memref_squeeze %dma_wait3A_41 : memref<1x1x2x80xi32, #tpu.memory_space<hbm>> -> memref<2x80xi32, #tpu.memory_space<hbm>>
      %dma_wait3A_43 = arith.constant 0 : i32
      %dma_wait3A_44 = arith.constant 0 : i32
      %dma_wait3A_45 = tpu.memref_slice %arg2[%add3A, %run_scoped3A, %dma_wait3A_43, %dma_wait3A_44] : memref<32x128x2x80xi32, #tpu.memory_space<hbm>> -> memref<1x1x2x80xi32, #tpu.memory_space<hbm>>
      %dma_wait3A_46 = tpu.memref_squeeze %dma_wait3A_45 : memref<1x1x2x80xi32, #tpu.memory_space<hbm>> -> memref<2x80xi32, #tpu.memory_space<hbm>>
      tpu.wait_dma2 semaphore(%run_scoped3A_30 : memref<!tpu.dma_semaphore, #tpu.memory_space<semaphore_mem>>) src(%dma_wait3A_46 : memref<2x80xi32, #tpu.memory_space<hbm>>) dst(%arg7 : memref<2x80xi32, #tpu.memory_space<vmem>>)
      tpu.yield
    }) : () -> ()
    %dma_start3A = arith.constant 1 : i32
    %dma_start3A_3 = arith.constant 0 : i32
    %dma_start3A_4 = arith.constant 0 : i32
    %dma_start3A_5 = tpu.memref_slice %arg2[%add3A, %dma_start3A, %dma_start3A_3, %dma_start3A_4] : memref<32x128x2x80xi32, #tpu.memory_space<hbm>> -> memref<1x1x2x80xi32, #tpu.memory_space<hbm>>
    %dma_start3A_6 = tpu.memref_squeeze %dma_start3A_5 : memref<1x1x2x80xi32, #tpu.memory_space<hbm>> -> memref<2x80xi32, #tpu.memory_space<hbm>>
    %dma_start3A_7 = arith.constant 0 : i32
    %dma_start3A_8 = arith.constant 0 : i32
    %dma_start3A_9 = tpu.memref_slice %arg2[%add3A, %dma_start3A, %dma_start3A_7, %dma_start3A_8] : memref<32x128x2x80xi32, #tpu.memory_space<hbm>> -> memref<1x1x2x80xi32, #tpu.memory_space<hbm>>
    %dma_start3A_10 = tpu.memref_squeeze %dma_start3A_9 : memref<1x1x2x80xi32, #tpu.memory_space<hbm>> -> memref<2x80xi32, #tpu.memory_space<hbm>>
    tpu.enqueue_dma source(%dma_start3A_10 : memref<2x80xi32, #tpu.memory_space<hbm>>) target(%arg8 : memref<2x80xi32, #tpu.memory_space<vmem>>) target_semaphore(%arg11 : memref<!tpu.dma_semaphore, #tpu.memory_space<semaphore_mem>>)
    %scan3A = arith.constant 0 : i32
    %scan3A_11 = arith.constant 0 : i32
    %scan3A_12 = arith.constant 62 : i32
    %scan3A_13 = arith.addi %scan3A_11, %scan3A_12 : i32
    %scan3A_14 = arith.constant 1 : i32
    scf.for %scan3A_30 = %scan3A_11 to %scan3A_13 step %scan3A_14  : i32 {
      %mul3A_31 = arith.constant 2 : i32
      %mul3A_32 = arith.muli %mul3A_31, %scan3A_30 : i32
      %run_scoped3A_33 = arith.constant 1 : i32
      "tpu.region"() ({
        %run_scoped3A_75 = tpu.sem_alloc : memref<!tpu.dma_semaphore, #tpu.memory_space<semaphore_mem>>
        %dma_start3A_76 = arith.constant 0 : i32
        %dma_start3A_77 = tpu.memref_slice %arg7[%run_scoped3A_33, %dma_start3A_76] : memref<2x80xi32, #tpu.memory_space<vmem>> -> memref<1x80xi32, #tpu.memory_space<vmem>>
        %dma_start3A_78 = tpu.memref_squeeze %dma_start3A_77 : memref<1x80xi32, #tpu.memory_space<vmem>> -> memref<80xi32, #tpu.memory_space<vmem>>
        %dma_start3A_79 = arith.constant 0 : i32
        %dma_start3A_80 = arith.constant 0 : i32
        %dma_start3A_81 = tpu.memref_slice %arg6[%dma_start3A_79, %dma_start3A_80] : memref<10240x128xf32, #tpu.memory_space<vmem_shared>> -> memref<10240x128xf32, #tpu.memory_space<vmem_shared>>
        tpu.enqueue_indirect_dma source(%arg9 : memref<80x128xf32, #tpu.memory_space<vmem>>) target(%dma_start3A_81 : memref<10240x128xf32, #tpu.memory_space<vmem_shared>>) offsets(%dma_start3A_78 : memref<80xi32, #tpu.memory_space<vmem>>) semaphore(%run_scoped3A_75 : memref<!tpu.dma_semaphore, #tpu.memory_space<semaphore_mem>>) {add = true}
        %dma_wait3A_82 = arith.constant 0 : i32
        %dma_wait3A_83 = tpu.memref_slice %arg7[%run_scoped3A_33, %dma_wait3A_82] : memref<2x80xi32, #tpu.memory_space<vmem>> -> memref<1x80xi32, #tpu.memory_space<vmem>>
        %dma_wait3A_84 = tpu.memref_squeeze %dma_wait3A_83 : memref<1x80xi32, #tpu.memory_space<vmem>> -> memref<80xi32, #tpu.memory_space<vmem>>
        %dma_wait3A_85 = arith.constant 0 : i32
        %dma_wait3A_86 = arith.constant 0 : i32
        %dma_wait3A_87 = tpu.memref_slice %arg6[%dma_wait3A_85, %dma_wait3A_86] : memref<10240x128xf32, #tpu.memory_space<vmem_shared>> -> memref<10240x128xf32, #tpu.memory_space<vmem_shared>>
        tpu.wait_indirect_dma semaphore(%run_scoped3A_75 : memref<!tpu.dma_semaphore, #tpu.memory_space<semaphore_mem>>) src(%arg9 : memref<80x128xf32, #tpu.memory_space<vmem>>) dst(%dma_wait3A_87 : memref<10240x128xf32, #tpu.memory_space<vmem_shared>>)
        tpu.yield
      }) : () -> ()
      %add3A_34 = arith.constant 2 : i32
      %add3A_35 = arith.addi %mul3A_32, %add3A_34 : i32
      %dma_start3A_36 = arith.constant 0 : i32
      %dma_start3A_37 = arith.constant 0 : i32
      %dma_start3A_38 = tpu.memref_slice %arg2[%add3A, %add3A_35, %dma_start3A_36, %dma_start3A_37] : memref<32x128x2x80xi32, #tpu.memory_space<hbm>> -> memref<1x1x2x80xi32, #tpu.memory_space<hbm>>
      %dma_start3A_39 = tpu.memref_squeeze %dma_start3A_38 : memref<1x1x2x80xi32, #tpu.memory_space<hbm>> -> memref<2x80xi32, #tpu.memory_space<hbm>>
      %dma_start3A_40 = arith.constant 0 : i32
      %dma_start3A_41 = arith.constant 0 : i32
      %dma_start3A_42 = tpu.memref_slice %arg2[%add3A, %add3A_35, %dma_start3A_40, %dma_start3A_41] : memref<32x128x2x80xi32, #tpu.memory_space<hbm>> -> memref<1x1x2x80xi32, #tpu.memory_space<hbm>>
      %dma_start3A_43 = tpu.memref_squeeze %dma_start3A_42 : memref<1x1x2x80xi32, #tpu.memory_space<hbm>> -> memref<2x80xi32, #tpu.memory_space<hbm>>
      tpu.enqueue_dma source(%dma_start3A_43 : memref<2x80xi32, #tpu.memory_space<hbm>>) target(%arg7 : memref<2x80xi32, #tpu.memory_space<vmem>>) target_semaphore(%arg10 : memref<!tpu.dma_semaphore, #tpu.memory_space<semaphore_mem>>)
      %add3A_44 = arith.constant 1 : i32
      %add3A_45 = arith.addi %mul3A_32, %add3A_44 : i32
      %dma_wait3A_46 = arith.constant 0 : i32
      %dma_wait3A_47 = arith.constant 0 : i32
      %dma_wait3A_48 = tpu.memref_slice %arg2[%add3A, %add3A_45, %dma_wait3A_46, %dma_wait3A_47] : memref<32x128x2x80xi32, #tpu.memory_space<hbm>> -> memref<1x1x2x80xi32, #tpu.memory_space<hbm>>
      %dma_wait3A_49 = tpu.memref_squeeze %dma_wait3A_48 : memref<1x1x2x80xi32, #tpu.memory_space<hbm>> -> memref<2x80xi32, #tpu.memory_space<hbm>>
      %dma_wait3A_50 = arith.constant 0 : i32
      %dma_wait3A_51 = arith.constant 0 : i32
      %dma_wait3A_52 = tpu.memref_slice %arg2[%add3A, %add3A_45, %dma_wait3A_50, %dma_wait3A_51] : memref<32x128x2x80xi32, #tpu.memory_space<hbm>> -> memref<1x1x2x80xi32, #tpu.memory_space<hbm>>
      %dma_wait3A_53 = tpu.memref_squeeze %dma_wait3A_52 : memref<1x1x2x80xi32, #tpu.memory_space<hbm>> -> memref<2x80xi32, #tpu.memory_space<hbm>>
      tpu.wait_dma2 semaphore(%arg11 : memref<!tpu.dma_semaphore, #tpu.memory_space<semaphore_mem>>) src(%dma_wait3A_53 : memref<2x80xi32, #tpu.memory_space<hbm>>) dst(%arg8 : memref<2x80xi32, #tpu.memory_space<vmem>>)
      %run_scoped3A_54 = arith.constant 1 : i32
      "tpu.region"() ({
        %run_scoped3A_75 = tpu.sem_alloc : memref<!tpu.dma_semaphore, #tpu.memory_space<semaphore_mem>>
        %dma_start3A_76 = arith.constant 0 : i32
        %dma_start3A_77 = tpu.memref_slice %arg8[%run_scoped3A_54, %dma_start3A_76] : memref<2x80xi32, #tpu.memory_space<vmem>> -> memref<1x80xi32, #tpu.memory_space<vmem>>
        %dma_start3A_78 = tpu.memref_squeeze %dma_start3A_77 : memref<1x80xi32, #tpu.memory_space<vmem>> -> memref<80xi32, #tpu.memory_space<vmem>>
        %dma_start3A_79 = arith.constant 0 : i32
        %dma_start3A_80 = arith.constant 0 : i32
        %dma_start3A_81 = tpu.memref_slice %arg6[%dma_start3A_79, %dma_start3A_80] : memref<10240x128xf32, #tpu.memory_space<vmem_shared>> -> memref<10240x128xf32, #tpu.memory_space<vmem_shared>>
        tpu.enqueue_indirect_dma source(%arg9 : memref<80x128xf32, #tpu.memory_space<vmem>>) target(%dma_start3A_81 : memref<10240x128xf32, #tpu.memory_space<vmem_shared>>) offsets(%dma_start3A_78 : memref<80xi32, #tpu.memory_space<vmem>>) semaphore(%run_scoped3A_75 : memref<!tpu.dma_semaphore, #tpu.memory_space<semaphore_mem>>) {add = true}
        %dma_wait3A_82 = arith.constant 0 : i32
        %dma_wait3A_83 = tpu.memref_slice %arg8[%run_scoped3A_54, %dma_wait3A_82] : memref<2x80xi32, #tpu.memory_space<vmem>> -> memref<1x80xi32, #tpu.memory_space<vmem>>
        %dma_wait3A_84 = tpu.memref_squeeze %dma_wait3A_83 : memref<1x80xi32, #tpu.memory_space<vmem>> -> memref<80xi32, #tpu.memory_space<vmem>>
        %dma_wait3A_85 = arith.constant 0 : i32
        %dma_wait3A_86 = arith.constant 0 : i32
        %dma_wait3A_87 = tpu.memref_slice %arg6[%dma_wait3A_85, %dma_wait3A_86] : memref<10240x128xf32, #tpu.memory_space<vmem_shared>> -> memref<10240x128xf32, #tpu.memory_space<vmem_shared>>
        tpu.wait_indirect_dma semaphore(%run_scoped3A_75 : memref<!tpu.dma_semaphore, #tpu.memory_space<semaphore_mem>>) src(%arg9 : memref<80x128xf32, #tpu.memory_space<vmem>>) dst(%dma_wait3A_87 : memref<10240x128xf32, #tpu.memory_space<vmem_shared>>)
        tpu.yield
      }) : () -> ()
      %add3A_55 = arith.constant 3 : i32
      %add3A_56 = arith.addi %mul3A_32, %add3A_55 : i32
      %dma_start3A_57 = arith.constant 0 : i32
      %dma_start3A_58 = arith.constant 0 : i32
      %dma_start3A_59 = tpu.memref_slice %arg2[%add3A, %add3A_56, %dma_start3A_57, %dma_start3A_58] : memref<32x128x2x80xi32, #tpu.memory_space<hbm>> -> memref<1x1x2x80xi32, #tpu.memory_space<hbm>>
      %dma_start3A_60 = tpu.memref_squeeze %dma_start3A_59 : memref<1x1x2x80xi32, #tpu.memory_space<hbm>> -> memref<2x80xi32, #tpu.memory_space<hbm>>
      %dma_start3A_61 = arith.constant 0 : i32
      %dma_start3A_62 = arith.constant 0 : i32
      %dma_start3A_63 = tpu.memref_slice %arg2[%add3A, %add3A_56, %dma_start3A_61, %dma_start3A_62] : memref<32x128x2x80xi32, #tpu.memory_space<hbm>> -> memref<1x1x2x80xi32, #tpu.memory_space<hbm>>
      %dma_start3A_64 = tpu.memref_squeeze %dma_start3A_63 : memref<1x1x2x80xi32, #tpu.memory_space<hbm>> -> memref<2x80xi32, #tpu.memory_space<hbm>>
      tpu.enqueue_dma source(%dma_start3A_64 : memref<2x80xi32, #tpu.memory_space<hbm>>) target(%arg8 : memref<2x80xi32, #tpu.memory_space<vmem>>) target_semaphore(%arg11 : memref<!tpu.dma_semaphore, #tpu.memory_space<semaphore_mem>>)
      %add3A_65 = arith.constant 2 : i32
      %add3A_66 = arith.addi %mul3A_32, %add3A_65 : i32
      %dma_wait3A_67 = arith.constant 0 : i32
      %dma_wait3A_68 = arith.constant 0 : i32
      %dma_wait3A_69 = tpu.memref_slice %arg2[%add3A, %add3A_66, %dma_wait3A_67, %dma_wait3A_68] : memref<32x128x2x80xi32, #tpu.memory_space<hbm>> -> memref<1x1x2x80xi32, #tpu.memory_space<hbm>>
      %dma_wait3A_70 = tpu.memref_squeeze %dma_wait3A_69 : memref<1x1x2x80xi32, #tpu.memory_space<hbm>> -> memref<2x80xi32, #tpu.memory_space<hbm>>
      %dma_wait3A_71 = arith.constant 0 : i32
      %dma_wait3A_72 = arith.constant 0 : i32
      %dma_wait3A_73 = tpu.memref_slice %arg2[%add3A, %add3A_66, %dma_wait3A_71, %dma_wait3A_72] : memref<32x128x2x80xi32, #tpu.memory_space<hbm>> -> memref<1x1x2x80xi32, #tpu.memory_space<hbm>>
      %dma_wait3A_74 = tpu.memref_squeeze %dma_wait3A_73 : memref<1x1x2x80xi32, #tpu.memory_space<hbm>> -> memref<2x80xi32, #tpu.memory_space<hbm>>
      tpu.wait_dma2 semaphore(%arg10 : memref<!tpu.dma_semaphore, #tpu.memory_space<semaphore_mem>>) src(%dma_wait3A_74 : memref<2x80xi32, #tpu.memory_space<hbm>>) dst(%arg7 : memref<2x80xi32, #tpu.memory_space<vmem>>)
    }
    %scan3A_15 = arith.constant 62 : i32
    %run_scoped3A_16 = arith.constant 1 : i32
    "tpu.region"() ({
      %run_scoped3A_30 = tpu.sem_alloc : memref<!tpu.dma_semaphore, #tpu.memory_space<semaphore_mem>>
      %dma_start3A_31 = arith.constant 0 : i32
      %dma_start3A_32 = tpu.memref_slice %arg7[%run_scoped3A_16, %dma_start3A_31] : memref<2x80xi32, #tpu.memory_space<vmem>> -> memref<1x80xi32, #tpu.memory_space<vmem>>
      %dma_start3A_33 = tpu.memref_squeeze %dma_start3A_32 : memref<1x80xi32, #tpu.memory_space<vmem>> -> memref<80xi32, #tpu.memory_space<vmem>>
      %dma_start3A_34 = arith.constant 0 : i32
      %dma_start3A_35 = arith.constant 0 : i32
      %dma_start3A_36 = tpu.memref_slice %arg6[%dma_start3A_34, %dma_start3A_35] : memref<10240x128xf32, #tpu.memory_space<vmem_shared>> -> memref<10240x128xf32, #tpu.memory_space<vmem_shared>>
      tpu.enqueue_indirect_dma source(%arg9 : memref<80x128xf32, #tpu.memory_space<vmem>>) target(%dma_start3A_36 : memref<10240x128xf32, #tpu.memory_space<vmem_shared>>) offsets(%dma_start3A_33 : memref<80xi32, #tpu.memory_space<vmem>>) semaphore(%run_scoped3A_30 : memref<!tpu.dma_semaphore, #tpu.memory_space<semaphore_mem>>) {add = true}
      %dma_wait3A_37 = arith.constant 0 : i32
      %dma_wait3A_38 = tpu.memref_slice %arg7[%run_scoped3A_16, %dma_wait3A_37] : memref<2x80xi32, #tpu.memory_space<vmem>> -> memref<1x80xi32, #tpu.memory_space<vmem>>
      %dma_wait3A_39 = tpu.memref_squeeze %dma_wait3A_38 : memref<1x80xi32, #tpu.memory_space<vmem>> -> memref<80xi32, #tpu.memory_space<vmem>>
      %dma_wait3A_40 = arith.constant 0 : i32
      %dma_wait3A_41 = arith.constant 0 : i32
      %dma_wait3A_42 = tpu.memref_slice %arg6[%dma_wait3A_40, %dma_wait3A_41] : memref<10240x128xf32, #tpu.memory_space<vmem_shared>> -> memref<10240x128xf32, #tpu.memory_space<vmem_shared>>
      tpu.wait_indirect_dma semaphore(%run_scoped3A_30 : memref<!tpu.dma_semaphore, #tpu.memory_space<semaphore_mem>>) src(%arg9 : memref<80x128xf32, #tpu.memory_space<vmem>>) dst(%dma_wait3A_42 : memref<10240x128xf32, #tpu.memory_space<vmem_shared>>)
      tpu.yield
    }) : () -> ()
    %dma_wait3A = arith.constant 125 : i32
    %dma_wait3A_17 = arith.constant 0 : i32
    %dma_wait3A_18 = arith.constant 0 : i32
    %dma_wait3A_19 = tpu.memref_slice %arg2[%add3A, %dma_wait3A, %dma_wait3A_17, %dma_wait3A_18] : memref<32x128x2x80xi32, #tpu.memory_space<hbm>> -> memref<1x1x2x80xi32, #tpu.memory_space<hbm>>
    %dma_wait3A_20 = tpu.memref_squeeze %dma_wait3A_19 : memref<1x1x2x80xi32, #tpu.memory_space<hbm>> -> memref<2x80xi32, #tpu.memory_space<hbm>>
    %dma_wait3A_21 = arith.constant 0 : i32
    %dma_wait3A_22 = arith.constant 0 : i32
    %dma_wait3A_23 = tpu.memref_slice %arg2[%add3A, %dma_wait3A, %dma_wait3A_21, %dma_wait3A_22] : memref<32x128x2x80xi32, #tpu.memory_space<hbm>> -> memref<1x1x2x80xi32, #tpu.memory_space<hbm>>
    %dma_wait3A_24 = tpu.memref_squeeze %dma_wait3A_23 : memref<1x1x2x80xi32, #tpu.memory_space<hbm>> -> memref<2x80xi32, #tpu.memory_space<hbm>>
    tpu.wait_dma2 semaphore(%arg11 : memref<!tpu.dma_semaphore, #tpu.memory_space<semaphore_mem>>) src(%dma_wait3A_24 : memref<2x80xi32, #tpu.memory_space<hbm>>) dst(%arg8 : memref<2x80xi32, #tpu.memory_space<vmem>>)
    %barrier3A_25 = arith.constant 0 : index
    tpu.barrier barrier_id(%barrier3A_25)
    %mul3A_26 = arith.constant 640 : i32
    %mul3A_27 = arith.muli %arg1, %mul3A_26 : i32
    %mul3A_28 = arith.constant 640 : i32
    %mul3A_29 = arith.muli %arg1, %mul3A_28 : i32
    "tpu.region"() ({
      %run_scoped3A_30 = tpu.sem_alloc : memref<!tpu.dma_semaphore, #tpu.memory_space<semaphore_mem>>
      %dma_start3A_31 = arith.constant 0 : i32
      %dma_start3A_32 = tpu.memref_slice %arg5[%arg0, %mul3A_29, %dma_start3A_31] : memref<2x10240x128xf32, #tpu.memory_space<hbm>> -> memref<1x640x128xf32, #tpu.memory_space<hbm>>
      %dma_start3A_33 = tpu.memref_squeeze %dma_start3A_32 : memref<1x640x128xf32, #tpu.memory_space<hbm>> -> memref<640x128xf32, #tpu.memory_space<hbm>>
      %dma_start3A_34 = arith.constant 0 : i32
      %dma_start3A_35 = tpu.memref_slice %arg6[%mul3A_27, %dma_start3A_34] : memref<10240x128xf32, #tpu.memory_space<vmem_shared>> -> memref<640x128xf32, #tpu.memory_space<vmem_shared>>
      tpu.enqueue_dma source(%dma_start3A_35 : memref<640x128xf32, #tpu.memory_space<vmem_shared>>) target(%dma_start3A_33 : memref<640x128xf32, #tpu.memory_space<hbm>>) target_semaphore(%run_scoped3A_30 : memref<!tpu.dma_semaphore, #tpu.memory_space<semaphore_mem>>)
      %dma_wait3A_36 = arith.constant 0 : i32
      %dma_wait3A_37 = tpu.memref_slice %arg5[%arg0, %mul3A_29, %dma_wait3A_36] : memref<2x10240x128xf32, #tpu.memory_space<hbm>> -> memref<1x640x128xf32, #tpu.memory_space<hbm>>
      %dma_wait3A_38 = tpu.memref_squeeze %dma_wait3A_37 : memref<1x640x128xf32, #tpu.memory_space<hbm>> -> memref<640x128xf32, #tpu.memory_space<hbm>>
      %dma_wait3A_39 = arith.constant 0 : i32
      %dma_wait3A_40 = tpu.memref_slice %arg6[%mul3A_27, %dma_wait3A_39] : memref<10240x128xf32, #tpu.memory_space<vmem_shared>> -> memref<640x128xf32, #tpu.memory_space<vmem_shared>>
      tpu.wait_dma2 semaphore(%run_scoped3A_30 : memref<!tpu.dma_semaphore, #tpu.memory_space<semaphore_mem>>) src(%dma_wait3A_40 : memref<640x128xf32, #tpu.memory_space<vmem_shared>>) dst(%dma_wait3A_38 : memref<640x128xf32, #tpu.memory_space<hbm>>)
      tpu.yield
    }) : () -> ()
    return
  }
}

#map = affine_map<(d0, d1) -> (0, 0)>
#map1 = affine_map<(d0, d1) -> (0, 0, 0, 0)>
#map2 = affine_map<(d0, d1) -> (0, 0, 0)>
module attributes {stable_mosaic.version = 14 : i64} {
  func.func @_scat_kernel(%arg0: i32, %arg1: i32, %arg2: memref<10000x128xf32, #tpu.memory_space<hbm>>, %arg3: memref<32x128x2x80xi32, #tpu.memory_space<hbm>>, %arg4: memref<640x128xf32, #tpu.memory_space<hbm>>, %arg5: memref<2x10240x128xf32, #tpu.memory_space<hbm>>, %arg6: memref<10240x128xf32, #tpu.memory_space<vmem_shared>>, %arg7: memref<2x80xi32, #tpu.memory_space<vmem>>, %arg8: memref<2x80xi32, #tpu.memory_space<vmem>>, %arg9: memref<80x128xf32, #tpu.memory_space<vmem>>, %arg10: memref<80x128xf32, #tpu.memory_space<vmem>>, %arg11: memref<!tpu.dma_semaphore, #tpu.memory_space<semaphore_mem>>, %arg12: memref<!tpu.dma_semaphore, #tpu.memory_space<semaphore_mem>>, %arg13: memref<!tpu.dma_semaphore, #tpu.memory_space<semaphore_mem>>, %arg14: memref<!tpu.dma_semaphore, #tpu.memory_space<semaphore_mem>>) attributes {dimension_semantics = [#tpu.dimension_semantics<core_parallel>, #tpu.dimension_semantics<subcore_parallel>], iteration_bounds = array<i64: 2, 16>, scalar_prefetch = 0 : i64, scratch_operands = 9 : i64, tpu.core_type = #tpu.core_type<sc_vector_subcore>, window_params = [{transform_indices = #map}, {transform_indices = #map1}, {transform_indices = #map}, {transform_indices = #map2}]} {
    %mul3A = arith.constant 2 : i32
    %mul3A_0 = arith.muli %arg1, %mul3A : i32
    %add3A = arith.addi %mul3A_0, %arg0 : i32
    %mul3A_1 = arith.constant 640 : i32
    %mul3A_2 = arith.muli %arg1, %mul3A_1 : i32
    "tpu.region"() ({
      %run_scoped3A_27 = tpu.sem_alloc : memref<!tpu.dma_semaphore, #tpu.memory_space<semaphore_mem>>
      %dma_start3A_28 = arith.constant 0 : i32
      %dma_start3A_29 = tpu.memref_slice %arg6[%mul3A_2, %dma_start3A_28] : memref<10240x128xf32, #tpu.memory_space<vmem_shared>> -> memref<640x128xf32, #tpu.memory_space<vmem_shared>>
      tpu.enqueue_dma source(%arg4 : memref<640x128xf32, #tpu.memory_space<hbm>>) target(%dma_start3A_29 : memref<640x128xf32, #tpu.memory_space<vmem_shared>>) target_semaphore(%run_scoped3A_27 : memref<!tpu.dma_semaphore, #tpu.memory_space<semaphore_mem>>)
      %dma_wait3A_30 = arith.constant 0 : i32
      %dma_wait3A_31 = tpu.memref_slice %arg6[%mul3A_2, %dma_wait3A_30] : memref<10240x128xf32, #tpu.memory_space<vmem_shared>> -> memref<640x128xf32, #tpu.memory_space<vmem_shared>>
      tpu.wait_dma2 semaphore(%run_scoped3A_27 : memref<!tpu.dma_semaphore, #tpu.memory_space<semaphore_mem>>) src(%arg4 : memref<640x128xf32, #tpu.memory_space<hbm>>) dst(%dma_wait3A_31 : memref<640x128xf32, #tpu.memory_space<vmem_shared>>)
      tpu.yield
    }) : () -> ()
    %barrier3A = arith.constant 0 : index
    tpu.barrier barrier_id(%barrier3A)
    %run_scoped3A = arith.constant 0 : i32
    "tpu.region"() ({
      %run_scoped3A_27 = tpu.sem_alloc : memref<!tpu.dma_semaphore, #tpu.memory_space<semaphore_mem>>
      %dma_start3A_28 = arith.constant 0 : i32
      %dma_start3A_29 = arith.constant 0 : i32
      %dma_start3A_30 = tpu.memref_slice %arg3[%add3A, %run_scoped3A, %dma_start3A_28, %dma_start3A_29] : memref<32x128x2x80xi32, #tpu.memory_space<hbm>> -> memref<1x1x2x80xi32, #tpu.memory_space<hbm>>
      %dma_start3A_31 = tpu.memref_squeeze %dma_start3A_30 : memref<1x1x2x80xi32, #tpu.memory_space<hbm>> -> memref<2x80xi32, #tpu.memory_space<hbm>>
      %dma_start3A_32 = arith.constant 0 : i32
      %dma_start3A_33 = arith.constant 0 : i32
      %dma_start3A_34 = tpu.memref_slice %arg3[%add3A, %run_scoped3A, %dma_start3A_32, %dma_start3A_33] : memref<32x128x2x80xi32, #tpu.memory_space<hbm>> -> memref<1x1x2x80xi32, #tpu.memory_space<hbm>>
      %dma_start3A_35 = tpu.memref_squeeze %dma_start3A_34 : memref<1x1x2x80xi32, #tpu.memory_space<hbm>> -> memref<2x80xi32, #tpu.memory_space<hbm>>
      tpu.enqueue_dma source(%dma_start3A_35 : memref<2x80xi32, #tpu.memory_space<hbm>>) target(%arg7 : memref<2x80xi32, #tpu.memory_space<vmem>>) target_semaphore(%run_scoped3A_27 : memref<!tpu.dma_semaphore, #tpu.memory_space<semaphore_mem>>)
      %dma_wait3A_36 = arith.constant 0 : i32
      %dma_wait3A_37 = arith.constant 0 : i32
      %dma_wait3A_38 = tpu.memref_slice %arg3[%add3A, %run_scoped3A, %dma_wait3A_36, %dma_wait3A_37] : memref<32x128x2x80xi32, #tpu.memory_space<hbm>> -> memref<1x1x2x80xi32, #tpu.memory_space<hbm>>
      %dma_wait3A_39 = tpu.memref_squeeze %dma_wait3A_38 : memref<1x1x2x80xi32, #tpu.memory_space<hbm>> -> memref<2x80xi32, #tpu.memory_space<hbm>>
      %dma_wait3A_40 = arith.constant 0 : i32
      %dma_wait3A_41 = arith.constant 0 : i32
      %dma_wait3A_42 = tpu.memref_slice %arg3[%add3A, %run_scoped3A, %dma_wait3A_40, %dma_wait3A_41] : memref<32x128x2x80xi32, #tpu.memory_space<hbm>> -> memref<1x1x2x80xi32, #tpu.memory_space<hbm>>
      %dma_wait3A_43 = tpu.memref_squeeze %dma_wait3A_42 : memref<1x1x2x80xi32, #tpu.memory_space<hbm>> -> memref<2x80xi32, #tpu.memory_space<hbm>>
      tpu.wait_dma2 semaphore(%run_scoped3A_27 : memref<!tpu.dma_semaphore, #tpu.memory_space<semaphore_mem>>) src(%dma_wait3A_43 : memref<2x80xi32, #tpu.memory_space<hbm>>) dst(%arg7 : memref<2x80xi32, #tpu.memory_space<vmem>>)
      tpu.yield
    }) : () -> ()
    %dma_start3A = arith.constant 0 : i32
    %dma_start3A_3 = arith.constant 0 : i32
    %dma_start3A_4 = tpu.memref_slice %arg7[%dma_start3A, %dma_start3A_3] : memref<2x80xi32, #tpu.memory_space<vmem>> -> memref<1x80xi32, #tpu.memory_space<vmem>>
    %dma_start3A_5 = tpu.memref_squeeze %dma_start3A_4 : memref<1x80xi32, #tpu.memory_space<vmem>> -> memref<80xi32, #tpu.memory_space<vmem>>
    %dma_start3A_6 = arith.constant 0 : i32
    %dma_start3A_7 = arith.constant 0 : i32
    %dma_start3A_8 = tpu.memref_slice %arg2[%dma_start3A_6, %dma_start3A_7] : memref<10000x128xf32, #tpu.memory_space<hbm>> -> memref<10000x128xf32, #tpu.memory_space<hbm>>
    tpu.enqueue_indirect_dma source(%dma_start3A_8 : memref<10000x128xf32, #tpu.memory_space<hbm>>) target(%arg9 : memref<80x128xf32, #tpu.memory_space<vmem>>) offsets(%dma_start3A_5 : memref<80xi32, #tpu.memory_space<vmem>>) semaphore(%arg11 : memref<!tpu.dma_semaphore, #tpu.memory_space<semaphore_mem>>)
    %run_scoped3A_9 = arith.constant 1 : i32
    "tpu.region"() ({
      %run_scoped3A_27 = tpu.sem_alloc : memref<!tpu.dma_semaphore, #tpu.memory_space<semaphore_mem>>
      %dma_start3A_28 = arith.constant 0 : i32
      %dma_start3A_29 = arith.constant 0 : i32
      %dma_start3A_30 = tpu.memref_slice %arg3[%add3A, %run_scoped3A_9, %dma_start3A_28, %dma_start3A_29] : memref<32x128x2x80xi32, #tpu.memory_space<hbm>> -> memref<1x1x2x80xi32, #tpu.memory_space<hbm>>
      %dma_start3A_31 = tpu.memref_squeeze %dma_start3A_30 : memref<1x1x2x80xi32, #tpu.memory_space<hbm>> -> memref<2x80xi32, #tpu.memory_space<hbm>>
      %dma_start3A_32 = arith.constant 0 : i32
      %dma_start3A_33 = arith.constant 0 : i32
      %dma_start3A_34 = tpu.memref_slice %arg3[%add3A, %run_scoped3A_9, %dma_start3A_32, %dma_start3A_33] : memref<32x128x2x80xi32, #tpu.memory_space<hbm>> -> memref<1x1x2x80xi32, #tpu.memory_space<hbm>>
      %dma_start3A_35 = tpu.memref_squeeze %dma_start3A_34 : memref<1x1x2x80xi32, #tpu.memory_space<hbm>> -> memref<2x80xi32, #tpu.memory_space<hbm>>
      tpu.enqueue_dma source(%dma_start3A_35 : memref<2x80xi32, #tpu.memory_space<hbm>>) target(%arg8 : memref<2x80xi32, #tpu.memory_space<vmem>>) target_semaphore(%run_scoped3A_27 : memref<!tpu.dma_semaphore, #tpu.memory_space<semaphore_mem>>)
      %dma_wait3A_36 = arith.constant 0 : i32
      %dma_wait3A_37 = arith.constant 0 : i32
      %dma_wait3A_38 = tpu.memref_slice %arg3[%add3A, %run_scoped3A_9, %dma_wait3A_36, %dma_wait3A_37] : memref<32x128x2x80xi32, #tpu.memory_space<hbm>> -> memref<1x1x2x80xi32, #tpu.memory_space<hbm>>
      %dma_wait3A_39 = tpu.memref_squeeze %dma_wait3A_38 : memref<1x1x2x80xi32, #tpu.memory_space<hbm>> -> memref<2x80xi32, #tpu.memory_space<hbm>>
      %dma_wait3A_40 = arith.constant 0 : i32
      %dma_wait3A_41 = arith.constant 0 : i32
      %dma_wait3A_42 = tpu.memref_slice %arg3[%add3A, %run_scoped3A_9, %dma_wait3A_40, %dma_wait3A_41] : memref<32x128x2x80xi32, #tpu.memory_space<hbm>> -> memref<1x1x2x80xi32, #tpu.memory_space<hbm>>
      %dma_wait3A_43 = tpu.memref_squeeze %dma_wait3A_42 : memref<1x1x2x80xi32, #tpu.memory_space<hbm>> -> memref<2x80xi32, #tpu.memory_space<hbm>>
      tpu.wait_dma2 semaphore(%run_scoped3A_27 : memref<!tpu.dma_semaphore, #tpu.memory_space<semaphore_mem>>) src(%dma_wait3A_43 : memref<2x80xi32, #tpu.memory_space<hbm>>) dst(%arg8 : memref<2x80xi32, #tpu.memory_space<vmem>>)
      tpu.yield
    }) : () -> ()
    %scan3A = arith.constant 0 : i32
    %scan3A_10 = arith.constant 0 : i32
    %scan3A_11 = arith.constant 62 : i32
    %scan3A_12 = arith.addi %scan3A_10, %scan3A_11 : i32
    %scan3A_13 = arith.constant 1 : i32
    scf.for %scan3A_27 = %scan3A_10 to %scan3A_12 step %scan3A_13  : i32 {
      %mul3A_28 = arith.constant 2 : i32
      %mul3A_29 = arith.muli %mul3A_28, %scan3A_27 : i32
      %dma_start3A_30 = arith.constant 0 : i32
      %dma_start3A_31 = arith.constant 0 : i32
      %dma_start3A_32 = tpu.memref_slice %arg8[%dma_start3A_30, %dma_start3A_31] : memref<2x80xi32, #tpu.memory_space<vmem>> -> memref<1x80xi32, #tpu.memory_space<vmem>>
      %dma_start3A_33 = tpu.memref_squeeze %dma_start3A_32 : memref<1x80xi32, #tpu.memory_space<vmem>> -> memref<80xi32, #tpu.memory_space<vmem>>
      %dma_start3A_34 = arith.constant 0 : i32
      %dma_start3A_35 = arith.constant 0 : i32
      %dma_start3A_36 = tpu.memref_slice %arg2[%dma_start3A_34, %dma_start3A_35] : memref<10000x128xf32, #tpu.memory_space<hbm>> -> memref<10000x128xf32, #tpu.memory_space<hbm>>
      tpu.enqueue_indirect_dma source(%dma_start3A_36 : memref<10000x128xf32, #tpu.memory_space<hbm>>) target(%arg10 : memref<80x128xf32, #tpu.memory_space<vmem>>) offsets(%dma_start3A_33 : memref<80xi32, #tpu.memory_space<vmem>>) semaphore(%arg12 : memref<!tpu.dma_semaphore, #tpu.memory_space<semaphore_mem>>)
      %dma_wait3A_37 = arith.constant 0 : i32
      %dma_wait3A_38 = arith.constant 0 : i32
      %dma_wait3A_39 = tpu.memref_slice %arg7[%dma_wait3A_37, %dma_wait3A_38] : memref<2x80xi32, #tpu.memory_space<vmem>> -> memref<1x80xi32, #tpu.memory_space<vmem>>
      %dma_wait3A_40 = tpu.memref_squeeze %dma_wait3A_39 : memref<1x80xi32, #tpu.memory_space<vmem>> -> memref<80xi32, #tpu.memory_space<vmem>>
      %dma_wait3A_41 = arith.constant 0 : i32
      %dma_wait3A_42 = arith.constant 0 : i32
      %dma_wait3A_43 = tpu.memref_slice %arg2[%dma_wait3A_41, %dma_wait3A_42] : memref<10000x128xf32, #tpu.memory_space<hbm>> -> memref<10000x128xf32, #tpu.memory_space<hbm>>
      tpu.wait_indirect_dma semaphore(%arg11 : memref<!tpu.dma_semaphore, #tpu.memory_space<semaphore_mem>>) src(%dma_wait3A_43 : memref<10000x128xf32, #tpu.memory_space<hbm>>) dst(%arg9 : memref<80x128xf32, #tpu.memory_space<vmem>>)
      %run_scoped3A_44 = arith.constant 1 : i32
      "tpu.region"() ({
        %run_scoped3A_100 = tpu.sem_alloc : memref<!tpu.dma_semaphore, #tpu.memory_space<semaphore_mem>>
        %dma_start3A_101 = arith.constant 0 : i32
        %dma_start3A_102 = tpu.memref_slice %arg7[%run_scoped3A_44, %dma_start3A_101] : memref<2x80xi32, #tpu.memory_space<vmem>> -> memref<1x80xi32, #tpu.memory_space<vmem>>
        %dma_start3A_103 = tpu.memref_squeeze %dma_start3A_102 : memref<1x80xi32, #tpu.memory_space<vmem>> -> memref<80xi32, #tpu.memory_space<vmem>>
        %dma_start3A_104 = arith.constant 0 : i32
        %dma_start3A_105 = arith.constant 0 : i32
        %dma_start3A_106 = tpu.memref_slice %arg6[%dma_start3A_104, %dma_start3A_105] : memref<10240x128xf32, #tpu.memory_space<vmem_shared>> -> memref<10240x128xf32, #tpu.memory_space<vmem_shared>>
        tpu.enqueue_indirect_dma source(%arg9 : memref<80x128xf32, #tpu.memory_space<vmem>>) target(%dma_start3A_106 : memref<10240x128xf32, #tpu.memory_space<vmem_shared>>) offsets(%dma_start3A_103 : memref<80xi32, #tpu.memory_space<vmem>>) semaphore(%run_scoped3A_100 : memref<!tpu.dma_semaphore, #tpu.memory_space<semaphore_mem>>) {add = true}
        %dma_wait3A_107 = arith.constant 0 : i32
        %dma_wait3A_108 = tpu.memref_slice %arg7[%run_scoped3A_44, %dma_wait3A_107] : memref<2x80xi32, #tpu.memory_space<vmem>> -> memref<1x80xi32, #tpu.memory_space<vmem>>
        %dma_wait3A_109 = tpu.memref_squeeze %dma_wait3A_108 : memref<1x80xi32, #tpu.memory_space<vmem>> -> memref<80xi32, #tpu.memory_space<vmem>>
        %dma_wait3A_110 = arith.constant 0 : i32
        %dma_wait3A_111 = arith.constant 0 : i32
        %dma_wait3A_112 = tpu.memref_slice %arg6[%dma_wait3A_110, %dma_wait3A_111] : memref<10240x128xf32, #tpu.memory_space<vmem_shared>> -> memref<10240x128xf32, #tpu.memory_space<vmem_shared>>
        tpu.wait_indirect_dma semaphore(%run_scoped3A_100 : memref<!tpu.dma_semaphore, #tpu.memory_space<semaphore_mem>>) src(%arg9 : memref<80x128xf32, #tpu.memory_space<vmem>>) dst(%dma_wait3A_112 : memref<10240x128xf32, #tpu.memory_space<vmem_shared>>)
        tpu.yield
      }) : () -> ()
      %add3A_45 = arith.constant 2 : i32
      %add3A_46 = arith.addi %mul3A_29, %add3A_45 : i32
      %dma_start3A_47 = arith.constant 0 : i32
      %dma_start3A_48 = arith.constant 0 : i32
      %dma_start3A_49 = tpu.memref_slice %arg3[%add3A, %add3A_46, %dma_start3A_47, %dma_start3A_48] : memref<32x128x2x80xi32, #tpu.memory_space<hbm>> -> memref<1x1x2x80xi32, #tpu.memory_space<hbm>>
      %dma_start3A_50 = tpu.memref_squeeze %dma_start3A_49 : memref<1x1x2x80xi32, #tpu.memory_space<hbm>> -> memref<2x80xi32, #tpu.memory_space<hbm>>
      %dma_start3A_51 = arith.constant 0 : i32
      %dma_start3A_52 = arith.constant 0 : i32
      %dma_start3A_53 = tpu.memref_slice %arg3[%add3A, %add3A_46, %dma_start3A_51, %dma_start3A_52] : memref<32x128x2x80xi32, #tpu.memory_space<hbm>> -> memref<1x1x2x80xi32, #tpu.memory_space<hbm>>
      %dma_start3A_54 = tpu.memref_squeeze %dma_start3A_53 : memref<1x1x2x80xi32, #tpu.memory_space<hbm>> -> memref<2x80xi32, #tpu.memory_space<hbm>>
      tpu.enqueue_dma source(%dma_start3A_54 : memref<2x80xi32, #tpu.memory_space<hbm>>) target(%arg7 : memref<2x80xi32, #tpu.memory_space<vmem>>) target_semaphore(%arg13 : memref<!tpu.dma_semaphore, #tpu.memory_space<semaphore_mem>>)
      %dma_wait3A_55 = arith.constant 0 : i32
      %dma_wait3A_56 = arith.constant 0 : i32
      %dma_wait3A_57 = tpu.memref_slice %arg8[%dma_wait3A_55, %dma_wait3A_56] : memref<2x80xi32, #tpu.memory_space<vmem>> -> memref<1x80xi32, #tpu.memory_space<vmem>>
      %dma_wait3A_58 = tpu.memref_squeeze %dma_wait3A_57 : memref<1x80xi32, #tpu.memory_space<vmem>> -> memref<80xi32, #tpu.memory_space<vmem>>
      %dma_wait3A_59 = arith.constant 0 : i32
      %dma_wait3A_60 = arith.constant 0 : i32
      %dma_wait3A_61 = tpu.memref_slice %arg2[%dma_wait3A_59, %dma_wait3A_60] : memref<10000x128xf32, #tpu.memory_space<hbm>> -> memref<10000x128xf32, #tpu.memory_space<hbm>>
      tpu.wait_indirect_dma semaphore(%arg12 : memref<!tpu.dma_semaphore, #tpu.memory_space<semaphore_mem>>) src(%dma_wait3A_61 : memref<10000x128xf32, #tpu.memory_space<hbm>>) dst(%arg10 : memref<80x128xf32, #tpu.memory_space<vmem>>)
      %run_scoped3A_62 = arith.constant 1 : i32
      "tpu.region"() ({
        %run_scoped3A_100 = tpu.sem_alloc : memref<!tpu.dma_semaphore, #tpu.memory_space<semaphore_mem>>
        %dma_start3A_101 = arith.constant 0 : i32
        %dma_start3A_102 = tpu.memref_slice %arg8[%run_scoped3A_62, %dma_start3A_101] : memref<2x80xi32, #tpu.memory_space<vmem>> -> memref<1x80xi32, #tpu.memory_space<vmem>>
        %dma_start3A_103 = tpu.memref_squeeze %dma_start3A_102 : memref<1x80xi32, #tpu.memory_space<vmem>> -> memref<80xi32, #tpu.memory_space<vmem>>
        %dma_start3A_104 = arith.constant 0 : i32
        %dma_start3A_105 = arith.constant 0 : i32
        %dma_start3A_106 = tpu.memref_slice %arg6[%dma_start3A_104, %dma_start3A_105] : memref<10240x128xf32, #tpu.memory_space<vmem_shared>> -> memref<10240x128xf32, #tpu.memory_space<vmem_shared>>
        tpu.enqueue_indirect_dma source(%arg10 : memref<80x128xf32, #tpu.memory_space<vmem>>) target(%dma_start3A_106 : memref<10240x128xf32, #tpu.memory_space<vmem_shared>>) offsets(%dma_start3A_103 : memref<80xi32, #tpu.memory_space<vmem>>) semaphore(%run_scoped3A_100 : memref<!tpu.dma_semaphore, #tpu.memory_space<semaphore_mem>>) {add = true}
        %dma_wait3A_107 = arith.constant 0 : i32
        %dma_wait3A_108 = tpu.memref_slice %arg8[%run_scoped3A_62, %dma_wait3A_107] : memref<2x80xi32, #tpu.memory_space<vmem>> -> memref<1x80xi32, #tpu.memory_space<vmem>>
        %dma_wait3A_109 = tpu.memref_squeeze %dma_wait3A_108 : memref<1x80xi32, #tpu.memory_space<vmem>> -> memref<80xi32, #tpu.memory_space<vmem>>
        %dma_wait3A_110 = arith.constant 0 : i32
        %dma_wait3A_111 = arith.constant 0 : i32
        %dma_wait3A_112 = tpu.memref_slice %arg6[%dma_wait3A_110, %dma_wait3A_111] : memref<10240x128xf32, #tpu.memory_space<vmem_shared>> -> memref<10240x128xf32, #tpu.memory_space<vmem_shared>>
        tpu.wait_indirect_dma semaphore(%run_scoped3A_100 : memref<!tpu.dma_semaphore, #tpu.memory_space<semaphore_mem>>) src(%arg10 : memref<80x128xf32, #tpu.memory_space<vmem>>) dst(%dma_wait3A_112 : memref<10240x128xf32, #tpu.memory_space<vmem_shared>>)
        tpu.yield
      }) : () -> ()
      %add3A_63 = arith.constant 3 : i32
      %add3A_64 = arith.addi %mul3A_29, %add3A_63 : i32
      %dma_start3A_65 = arith.constant 0 : i32
      %dma_start3A_66 = arith.constant 0 : i32
      %dma_start3A_67 = tpu.memref_slice %arg3[%add3A, %add3A_64, %dma_start3A_65, %dma_start3A_66] : memref<32x128x2x80xi32, #tpu.memory_space<hbm>> -> memref<1x1x2x80xi32, #tpu.memory_space<hbm>>
      %dma_start3A_68 = tpu.memref_squeeze %dma_start3A_67 : memref<1x1x2x80xi32, #tpu.memory_space<hbm>> -> memref<2x80xi32, #tpu.memory_space<hbm>>
      %dma_start3A_69 = arith.constant 0 : i32
      %dma_start3A_70 = arith.constant 0 : i32
      %dma_start3A_71 = tpu.memref_slice %arg3[%add3A, %add3A_64, %dma_start3A_69, %dma_start3A_70] : memref<32x128x2x80xi32, #tpu.memory_space<hbm>> -> memref<1x1x2x80xi32, #tpu.memory_space<hbm>>
      %dma_start3A_72 = tpu.memref_squeeze %dma_start3A_71 : memref<1x1x2x80xi32, #tpu.memory_space<hbm>> -> memref<2x80xi32, #tpu.memory_space<hbm>>
      tpu.enqueue_dma source(%dma_start3A_72 : memref<2x80xi32, #tpu.memory_space<hbm>>) target(%arg8 : memref<2x80xi32, #tpu.memory_space<vmem>>) target_semaphore(%arg14 : memref<!tpu.dma_semaphore, #tpu.memory_space<semaphore_mem>>)
      %add3A_73 = arith.constant 2 : i32
      %add3A_74 = arith.addi %mul3A_29, %add3A_73 : i32
      %dma_wait3A_75 = arith.constant 0 : i32
      %dma_wait3A_76 = arith.constant 0 : i32
      %dma_wait3A_77 = tpu.memref_slice %arg3[%add3A, %add3A_74, %dma_wait3A_75, %dma_wait3A_76] : memref<32x128x2x80xi32, #tpu.memory_space<hbm>> -> memref<1x1x2x80xi32, #tpu.memory_space<hbm>>
      %dma_wait3A_78 = tpu.memref_squeeze %dma_wait3A_77 : memref<1x1x2x80xi32, #tpu.memory_space<hbm>> -> memref<2x80xi32, #tpu.memory_space<hbm>>
      %dma_wait3A_79 = arith.constant 0 : i32
      %dma_wait3A_80 = arith.constant 0 : i32
      %dma_wait3A_81 = tpu.memref_slice %arg3[%add3A, %add3A_74, %dma_wait3A_79, %dma_wait3A_80] : memref<32x128x2x80xi32, #tpu.memory_space<hbm>> -> memref<1x1x2x80xi32, #tpu.memory_space<hbm>>
      %dma_wait3A_82 = tpu.memref_squeeze %dma_wait3A_81 : memref<1x1x2x80xi32, #tpu.memory_space<hbm>> -> memref<2x80xi32, #tpu.memory_space<hbm>>
      tpu.wait_dma2 semaphore(%arg13 : memref<!tpu.dma_semaphore, #tpu.memory_space<semaphore_mem>>) src(%dma_wait3A_82 : memref<2x80xi32, #tpu.memory_space<hbm>>) dst(%arg7 : memref<2x80xi32, #tpu.memory_space<vmem>>)
      %dma_start3A_83 = arith.constant 0 : i32
      %dma_start3A_84 = arith.constant 0 : i32
      %dma_start3A_85 = tpu.memref_slice %arg7[%dma_start3A_83, %dma_start3A_84] : memref<2x80xi32, #tpu.memory_space<vmem>> -> memref<1x80xi32, #tpu.memory_space<vmem>>
      %dma_start3A_86 = tpu.memref_squeeze %dma_start3A_85 : memref<1x80xi32, #tpu.memory_space<vmem>> -> memref<80xi32, #tpu.memory_space<vmem>>
      %dma_start3A_87 = arith.constant 0 : i32
      %dma_start3A_88 = arith.constant 0 : i32
      %dma_start3A_89 = tpu.memref_slice %arg2[%dma_start3A_87, %dma_start3A_88] : memref<10000x128xf32, #tpu.memory_space<hbm>> -> memref<10000x128xf32, #tpu.memory_space<hbm>>
      tpu.enqueue_indirect_dma source(%dma_start3A_89 : memref<10000x128xf32, #tpu.memory_space<hbm>>) target(%arg9 : memref<80x128xf32, #tpu.memory_space<vmem>>) offsets(%dma_start3A_86 : memref<80xi32, #tpu.memory_space<vmem>>) semaphore(%arg11 : memref<!tpu.dma_semaphore, #tpu.memory_space<semaphore_mem>>)
      %add3A_90 = arith.constant 3 : i32
      %add3A_91 = arith.addi %mul3A_29, %add3A_90 : i32
      %dma_wait3A_92 = arith.constant 0 : i32
      %dma_wait3A_93 = arith.constant 0 : i32
      %dma_wait3A_94 = tpu.memref_slice %arg3[%add3A, %add3A_91, %dma_wait3A_92, %dma_wait3A_93] : memref<32x128x2x80xi32, #tpu.memory_space<hbm>> -> memref<1x1x2x80xi32, #tpu.memory_space<hbm>>
      %dma_wait3A_95 = tpu.memref_squeeze %dma_wait3A_94 : memref<1x1x2x80xi32, #tpu.memory_space<hbm>> -> memref<2x80xi32, #tpu.memory_space<hbm>>
      %dma_wait3A_96 = arith.constant 0 : i32
      %dma_wait3A_97 = arith.constant 0 : i32
      %dma_wait3A_98 = tpu.memref_slice %arg3[%add3A, %add3A_91, %dma_wait3A_96, %dma_wait3A_97] : memref<32x128x2x80xi32, #tpu.memory_space<hbm>> -> memref<1x1x2x80xi32, #tpu.memory_space<hbm>>
      %dma_wait3A_99 = tpu.memref_squeeze %dma_wait3A_98 : memref<1x1x2x80xi32, #tpu.memory_space<hbm>> -> memref<2x80xi32, #tpu.memory_space<hbm>>
      tpu.wait_dma2 semaphore(%arg14 : memref<!tpu.dma_semaphore, #tpu.memory_space<semaphore_mem>>) src(%dma_wait3A_99 : memref<2x80xi32, #tpu.memory_space<hbm>>) dst(%arg8 : memref<2x80xi32, #tpu.memory_space<vmem>>)
    }
    %scan3A_14 = arith.constant 62 : i32
    %dma_wait3A = arith.constant 0 : i32
    %dma_wait3A_15 = arith.constant 0 : i32
    %dma_wait3A_16 = tpu.memref_slice %arg7[%dma_wait3A, %dma_wait3A_15] : memref<2x80xi32, #tpu.memory_space<vmem>> -> memref<1x80xi32, #tpu.memory_space<vmem>>
    %dma_wait3A_17 = tpu.memref_squeeze %dma_wait3A_16 : memref<1x80xi32, #tpu.memory_space<vmem>> -> memref<80xi32, #tpu.memory_space<vmem>>
    %dma_wait3A_18 = arith.constant 0 : i32
    %dma_wait3A_19 = arith.constant 0 : i32
    %dma_wait3A_20 = tpu.memref_slice %arg2[%dma_wait3A_18, %dma_wait3A_19] : memref<10000x128xf32, #tpu.memory_space<hbm>> -> memref<10000x128xf32, #tpu.memory_space<hbm>>
    tpu.wait_indirect_dma semaphore(%arg11 : memref<!tpu.dma_semaphore, #tpu.memory_space<semaphore_mem>>) src(%dma_wait3A_20 : memref<10000x128xf32, #tpu.memory_space<hbm>>) dst(%arg9 : memref<80x128xf32, #tpu.memory_space<vmem>>)
    %run_scoped3A_21 = arith.constant 1 : i32
    "tpu.region"() ({
      %run_scoped3A_27 = tpu.sem_alloc : memref<!tpu.dma_semaphore, #tpu.memory_space<semaphore_mem>>
      %dma_start3A_28 = arith.constant 0 : i32
      %dma_start3A_29 = tpu.memref_slice %arg7[%run_scoped3A_21, %dma_start3A_28] : memref<2x80xi32, #tpu.memory_space<vmem>> -> memref<1x80xi32, #tpu.memory_space<vmem>>
      %dma_start3A_30 = tpu.memref_squeeze %dma_start3A_29 : memref<1x80xi32, #tpu.memory_space<vmem>> -> memref<80xi32, #tpu.memory_space<vmem>>
      %dma_start3A_31 = arith.constant 0 : i32
      %dma_start3A_32 = arith.constant 0 : i32
      %dma_start3A_33 = tpu.memref_slice %arg6[%dma_start3A_31, %dma_start3A_32] : memref<10240x128xf32, #tpu.memory_space<vmem_shared>> -> memref<10240x128xf32, #tpu.memory_space<vmem_shared>>
      tpu.enqueue_indirect_dma source(%arg9 : memref<80x128xf32, #tpu.memory_space<vmem>>) target(%dma_start3A_33 : memref<10240x128xf32, #tpu.memory_space<vmem_shared>>) offsets(%dma_start3A_30 : memref<80xi32, #tpu.memory_space<vmem>>) semaphore(%run_scoped3A_27 : memref<!tpu.dma_semaphore, #tpu.memory_space<semaphore_mem>>) {add = true}
      %dma_wait3A_34 = arith.constant 0 : i32
      %dma_wait3A_35 = tpu.memref_slice %arg7[%run_scoped3A_21, %dma_wait3A_34] : memref<2x80xi32, #tpu.memory_space<vmem>> -> memref<1x80xi32, #tpu.memory_space<vmem>>
      %dma_wait3A_36 = tpu.memref_squeeze %dma_wait3A_35 : memref<1x80xi32, #tpu.memory_space<vmem>> -> memref<80xi32, #tpu.memory_space<vmem>>
      %dma_wait3A_37 = arith.constant 0 : i32
      %dma_wait3A_38 = arith.constant 0 : i32
      %dma_wait3A_39 = tpu.memref_slice %arg6[%dma_wait3A_37, %dma_wait3A_38] : memref<10240x128xf32, #tpu.memory_space<vmem_shared>> -> memref<10240x128xf32, #tpu.memory_space<vmem_shared>>
      tpu.wait_indirect_dma semaphore(%run_scoped3A_27 : memref<!tpu.dma_semaphore, #tpu.memory_space<semaphore_mem>>) src(%arg9 : memref<80x128xf32, #tpu.memory_space<vmem>>) dst(%dma_wait3A_39 : memref<10240x128xf32, #tpu.memory_space<vmem_shared>>)
      tpu.yield
    }) : () -> ()
    %barrier3A_22 = arith.constant 0 : index
    tpu.barrier barrier_id(%barrier3A_22)
    %mul3A_23 = arith.constant 640 : i32
    %mul3A_24 = arith.muli %arg1, %mul3A_23 : i32
    %mul3A_25 = arith.constant 640 : i32
    %mul3A_26 = arith.muli %arg1, %mul3A_25 : i32
    "tpu.region"() ({
      %run_scoped3A_27 = tpu.sem_alloc : memref<!tpu.dma_semaphore, #tpu.memory_space<semaphore_mem>>
      %dma_start3A_28 = arith.constant 0 : i32
      %dma_start3A_29 = tpu.memref_slice %arg5[%arg0, %mul3A_26, %dma_start3A_28] : memref<2x10240x128xf32, #tpu.memory_space<hbm>> -> memref<1x640x128xf32, #tpu.memory_space<hbm>>
      %dma_start3A_30 = tpu.memref_squeeze %dma_start3A_29 : memref<1x640x128xf32, #tpu.memory_space<hbm>> -> memref<640x128xf32, #tpu.memory_space<hbm>>
      %dma_start3A_31 = arith.constant 0 : i32
      %dma_start3A_32 = tpu.memref_slice %arg6[%mul3A_24, %dma_start3A_31] : memref<10240x128xf32, #tpu.memory_space<vmem_shared>> -> memref<640x128xf32, #tpu.memory_space<vmem_shared>>
      tpu.enqueue_dma source(%dma_start3A_32 : memref<640x128xf32, #tpu.memory_space<vmem_shared>>) target(%dma_start3A_30 : memref<640x128xf32, #tpu.memory_space<hbm>>) target_semaphore(%run_scoped3A_27 : memref<!tpu.dma_semaphore, #tpu.memory_space<semaphore_mem>>)
      %dma_wait3A_33 = arith.constant 0 : i32
      %dma_wait3A_34 = tpu.memref_slice %arg5[%arg0, %mul3A_26, %dma_wait3A_33] : memref<2x10240x128xf32, #tpu.memory_space<hbm>> -> memref<1x640x128xf32, #tpu.memory_space<hbm>>
      %dma_wait3A_35 = tpu.memref_squeeze %dma_wait3A_34 : memref<1x640x128xf32, #tpu.memory_space<hbm>> -> memref<640x128xf32, #tpu.memory_space<hbm>>
      %dma_wait3A_36 = arith.constant 0 : i32
      %dma_wait3A_37 = tpu.memref_slice %arg6[%mul3A_24, %dma_wait3A_36] : memref<10240x128xf32, #tpu.memory_space<vmem_shared>> -> memref<640x128xf32, #tpu.memory_space<vmem_shared>>
      tpu.wait_dma2 semaphore(%run_scoped3A_27 : memref<!tpu.dma_semaphore, #tpu.memory_space<semaphore_mem>>) src(%dma_wait3A_37 : memref<640x128xf32, #tpu.memory_space<vmem_shared>>) dst(%dma_wait3A_35 : memref<640x128xf32, #tpu.memory_space<hbm>>)
      tpu.yield
    }) : () -> ()
    return
  }
}

#map = affine_map<(d0, d1) -> (0, 0)>
#map1 = affine_map<(d0, d1) -> (0, 0, 0, 0)>
#map2 = affine_map<(d0, d1) -> (0, 0, 0)>
module attributes {stable_mosaic.version = 14 : i64} {
  func.func @_scat_kernel(%arg0: i32, %arg1: i32, %arg2: memref<10000x128xf32, #tpu.memory_space<hbm>>, %arg3: memref<32x128x2x80xi32, #tpu.memory_space<hbm>>, %arg4: memref<640x128xf32, #tpu.memory_space<hbm>>, %arg5: memref<2x10240x128xf32, #tpu.memory_space<hbm>>, %arg6: memref<10240x128xf32, #tpu.memory_space<vmem_shared>>, %arg7: memref<2x80xi32, #tpu.memory_space<vmem>>, %arg8: memref<2x80xi32, #tpu.memory_space<vmem>>, %arg9: memref<80x128xf32, #tpu.memory_space<vmem>>, %arg10: memref<80x128xf32, #tpu.memory_space<vmem>>, %arg11: memref<!tpu.dma_semaphore, #tpu.memory_space<semaphore_mem>>, %arg12: memref<!tpu.dma_semaphore, #tpu.memory_space<semaphore_mem>>, %arg13: memref<!tpu.dma_semaphore, #tpu.memory_space<semaphore_mem>>, %arg14: memref<!tpu.dma_semaphore, #tpu.memory_space<semaphore_mem>>) attributes {dimension_semantics = [#tpu.dimension_semantics<core_parallel>, #tpu.dimension_semantics<subcore_parallel>], iteration_bounds = array<i64: 2, 16>, scalar_prefetch = 0 : i64, scratch_operands = 9 : i64, tpu.core_type = #tpu.core_type<sc_vector_subcore>, window_params = [{transform_indices = #map}, {transform_indices = #map1}, {transform_indices = #map}, {transform_indices = #map2}]} {
    %mul3A = arith.constant 2 : i32
    %mul3A_0 = arith.muli %arg1, %mul3A : i32
    %add3A = arith.addi %mul3A_0, %arg0 : i32
    %mul3A_1 = arith.constant 640 : i32
    %mul3A_2 = arith.muli %arg1, %mul3A_1 : i32
    "tpu.region"() ({
      %run_scoped3A_27 = tpu.sem_alloc : memref<!tpu.dma_semaphore, #tpu.memory_space<semaphore_mem>>
      %dma_start3A_28 = arith.constant 0 : i32
      %dma_start3A_29 = tpu.memref_slice %arg6[%mul3A_2, %dma_start3A_28] : memref<10240x128xf32, #tpu.memory_space<vmem_shared>> -> memref<640x128xf32, #tpu.memory_space<vmem_shared>>
      tpu.enqueue_dma source(%arg4 : memref<640x128xf32, #tpu.memory_space<hbm>>) target(%dma_start3A_29 : memref<640x128xf32, #tpu.memory_space<vmem_shared>>) target_semaphore(%run_scoped3A_27 : memref<!tpu.dma_semaphore, #tpu.memory_space<semaphore_mem>>)
      %dma_wait3A_30 = arith.constant 0 : i32
      %dma_wait3A_31 = tpu.memref_slice %arg6[%mul3A_2, %dma_wait3A_30] : memref<10240x128xf32, #tpu.memory_space<vmem_shared>> -> memref<640x128xf32, #tpu.memory_space<vmem_shared>>
      tpu.wait_dma2 semaphore(%run_scoped3A_27 : memref<!tpu.dma_semaphore, #tpu.memory_space<semaphore_mem>>) src(%arg4 : memref<640x128xf32, #tpu.memory_space<hbm>>) dst(%dma_wait3A_31 : memref<640x128xf32, #tpu.memory_space<vmem_shared>>)
      tpu.yield
    }) : () -> ()
    %barrier3A = arith.constant 0 : index
    tpu.barrier barrier_id(%barrier3A)
    %run_scoped3A = arith.constant 0 : i32
    "tpu.region"() ({
      %run_scoped3A_27 = tpu.sem_alloc : memref<!tpu.dma_semaphore, #tpu.memory_space<semaphore_mem>>
      %dma_start3A_28 = arith.constant 0 : i32
      %dma_start3A_29 = arith.constant 0 : i32
      %dma_start3A_30 = tpu.memref_slice %arg3[%add3A, %run_scoped3A, %dma_start3A_28, %dma_start3A_29] : memref<32x128x2x80xi32, #tpu.memory_space<hbm>> -> memref<1x1x2x80xi32, #tpu.memory_space<hbm>>
      %dma_start3A_31 = tpu.memref_squeeze %dma_start3A_30 : memref<1x1x2x80xi32, #tpu.memory_space<hbm>> -> memref<2x80xi32, #tpu.memory_space<hbm>>
      %dma_start3A_32 = arith.constant 0 : i32
      %dma_start3A_33 = arith.constant 0 : i32
      %dma_start3A_34 = tpu.memref_slice %arg3[%add3A, %run_scoped3A, %dma_start3A_32, %dma_start3A_33] : memref<32x128x2x80xi32, #tpu.memory_space<hbm>> -> memref<1x1x2x80xi32, #tpu.memory_space<hbm>>
      %dma_start3A_35 = tpu.memref_squeeze %dma_start3A_34 : memref<1x1x2x80xi32, #tpu.memory_space<hbm>> -> memref<2x80xi32, #tpu.memory_space<hbm>>
      tpu.enqueue_dma source(%dma_start3A_35 : memref<2x80xi32, #tpu.memory_space<hbm>>) target(%arg7 : memref<2x80xi32, #tpu.memory_space<vmem>>) target_semaphore(%run_scoped3A_27 : memref<!tpu.dma_semaphore, #tpu.memory_space<semaphore_mem>>)
      %dma_wait3A_36 = arith.constant 0 : i32
      %dma_wait3A_37 = arith.constant 0 : i32
      %dma_wait3A_38 = tpu.memref_slice %arg3[%add3A, %run_scoped3A, %dma_wait3A_36, %dma_wait3A_37] : memref<32x128x2x80xi32, #tpu.memory_space<hbm>> -> memref<1x1x2x80xi32, #tpu.memory_space<hbm>>
      %dma_wait3A_39 = tpu.memref_squeeze %dma_wait3A_38 : memref<1x1x2x80xi32, #tpu.memory_space<hbm>> -> memref<2x80xi32, #tpu.memory_space<hbm>>
      %dma_wait3A_40 = arith.constant 0 : i32
      %dma_wait3A_41 = arith.constant 0 : i32
      %dma_wait3A_42 = tpu.memref_slice %arg3[%add3A, %run_scoped3A, %dma_wait3A_40, %dma_wait3A_41] : memref<32x128x2x80xi32, #tpu.memory_space<hbm>> -> memref<1x1x2x80xi32, #tpu.memory_space<hbm>>
      %dma_wait3A_43 = tpu.memref_squeeze %dma_wait3A_42 : memref<1x1x2x80xi32, #tpu.memory_space<hbm>> -> memref<2x80xi32, #tpu.memory_space<hbm>>
      tpu.wait_dma2 semaphore(%run_scoped3A_27 : memref<!tpu.dma_semaphore, #tpu.memory_space<semaphore_mem>>) src(%dma_wait3A_43 : memref<2x80xi32, #tpu.memory_space<hbm>>) dst(%arg7 : memref<2x80xi32, #tpu.memory_space<vmem>>)
      tpu.yield
    }) : () -> ()
    %dma_start3A = arith.constant 0 : i32
    %dma_start3A_3 = arith.constant 0 : i32
    %dma_start3A_4 = tpu.memref_slice %arg7[%dma_start3A, %dma_start3A_3] : memref<2x80xi32, #tpu.memory_space<vmem>> -> memref<1x80xi32, #tpu.memory_space<vmem>>
    %dma_start3A_5 = tpu.memref_squeeze %dma_start3A_4 : memref<1x80xi32, #tpu.memory_space<vmem>> -> memref<80xi32, #tpu.memory_space<vmem>>
    %dma_start3A_6 = arith.constant 0 : i32
    %dma_start3A_7 = arith.constant 0 : i32
    %dma_start3A_8 = tpu.memref_slice %arg2[%dma_start3A_6, %dma_start3A_7] : memref<10000x128xf32, #tpu.memory_space<hbm>> -> memref<10000x128xf32, #tpu.memory_space<hbm>>
    tpu.enqueue_indirect_dma source(%dma_start3A_8 : memref<10000x128xf32, #tpu.memory_space<hbm>>) target(%arg9 : memref<80x128xf32, #tpu.memory_space<vmem>>) offsets(%dma_start3A_5 : memref<80xi32, #tpu.memory_space<vmem>>) semaphore(%arg11 : memref<!tpu.dma_semaphore, #tpu.memory_space<semaphore_mem>>)
    %run_scoped3A_9 = arith.constant 1 : i32
    "tpu.region"() ({
      %run_scoped3A_27 = tpu.sem_alloc : memref<!tpu.dma_semaphore, #tpu.memory_space<semaphore_mem>>
      %dma_start3A_28 = arith.constant 0 : i32
      %dma_start3A_29 = arith.constant 0 : i32
      %dma_start3A_30 = tpu.memref_slice %arg3[%add3A, %run_scoped3A_9, %dma_start3A_28, %dma_start3A_29] : memref<32x128x2x80xi32, #tpu.memory_space<hbm>> -> memref<1x1x2x80xi32, #tpu.memory_space<hbm>>
      %dma_start3A_31 = tpu.memref_squeeze %dma_start3A_30 : memref<1x1x2x80xi32, #tpu.memory_space<hbm>> -> memref<2x80xi32, #tpu.memory_space<hbm>>
      %dma_start3A_32 = arith.constant 0 : i32
      %dma_start3A_33 = arith.constant 0 : i32
      %dma_start3A_34 = tpu.memref_slice %arg3[%add3A, %run_scoped3A_9, %dma_start3A_32, %dma_start3A_33] : memref<32x128x2x80xi32, #tpu.memory_space<hbm>> -> memref<1x1x2x80xi32, #tpu.memory_space<hbm>>
      %dma_start3A_35 = tpu.memref_squeeze %dma_start3A_34 : memref<1x1x2x80xi32, #tpu.memory_space<hbm>> -> memref<2x80xi32, #tpu.memory_space<hbm>>
      tpu.enqueue_dma source(%dma_start3A_35 : memref<2x80xi32, #tpu.memory_space<hbm>>) target(%arg8 : memref<2x80xi32, #tpu.memory_space<vmem>>) target_semaphore(%run_scoped3A_27 : memref<!tpu.dma_semaphore, #tpu.memory_space<semaphore_mem>>)
      %dma_wait3A_36 = arith.constant 0 : i32
      %dma_wait3A_37 = arith.constant 0 : i32
      %dma_wait3A_38 = tpu.memref_slice %arg3[%add3A, %run_scoped3A_9, %dma_wait3A_36, %dma_wait3A_37] : memref<32x128x2x80xi32, #tpu.memory_space<hbm>> -> memref<1x1x2x80xi32, #tpu.memory_space<hbm>>
      %dma_wait3A_39 = tpu.memref_squeeze %dma_wait3A_38 : memref<1x1x2x80xi32, #tpu.memory_space<hbm>> -> memref<2x80xi32, #tpu.memory_space<hbm>>
      %dma_wait3A_40 = arith.constant 0 : i32
      %dma_wait3A_41 = arith.constant 0 : i32
      %dma_wait3A_42 = tpu.memref_slice %arg3[%add3A, %run_scoped3A_9, %dma_wait3A_40, %dma_wait3A_41] : memref<32x128x2x80xi32, #tpu.memory_space<hbm>> -> memref<1x1x2x80xi32, #tpu.memory_space<hbm>>
      %dma_wait3A_43 = tpu.memref_squeeze %dma_wait3A_42 : memref<1x1x2x80xi32, #tpu.memory_space<hbm>> -> memref<2x80xi32, #tpu.memory_space<hbm>>
      tpu.wait_dma2 semaphore(%run_scoped3A_27 : memref<!tpu.dma_semaphore, #tpu.memory_space<semaphore_mem>>) src(%dma_wait3A_43 : memref<2x80xi32, #tpu.memory_space<hbm>>) dst(%arg8 : memref<2x80xi32, #tpu.memory_space<vmem>>)
      tpu.yield
    }) : () -> ()
    %scan3A = arith.constant 0 : i32
    %scan3A_10 = arith.constant 0 : i32
    %scan3A_11 = arith.constant 62 : i32
    %scan3A_12 = arith.addi %scan3A_10, %scan3A_11 : i32
    %scan3A_13 = arith.constant 1 : i32
    scf.for %scan3A_27 = %scan3A_10 to %scan3A_12 step %scan3A_13  : i32 {
      %mul3A_28 = arith.constant 2 : i32
      %mul3A_29 = arith.muli %mul3A_28, %scan3A_27 : i32
      %dma_start3A_30 = arith.constant 0 : i32
      %dma_start3A_31 = arith.constant 0 : i32
      %dma_start3A_32 = tpu.memref_slice %arg8[%dma_start3A_30, %dma_start3A_31] : memref<2x80xi32, #tpu.memory_space<vmem>> -> memref<1x80xi32, #tpu.memory_space<vmem>>
      %dma_start3A_33 = tpu.memref_squeeze %dma_start3A_32 : memref<1x80xi32, #tpu.memory_space<vmem>> -> memref<80xi32, #tpu.memory_space<vmem>>
      %dma_start3A_34 = arith.constant 0 : i32
      %dma_start3A_35 = arith.constant 0 : i32
      %dma_start3A_36 = tpu.memref_slice %arg2[%dma_start3A_34, %dma_start3A_35] : memref<10000x128xf32, #tpu.memory_space<hbm>> -> memref<10000x128xf32, #tpu.memory_space<hbm>>
      tpu.enqueue_indirect_dma source(%dma_start3A_36 : memref<10000x128xf32, #tpu.memory_space<hbm>>) target(%arg10 : memref<80x128xf32, #tpu.memory_space<vmem>>) offsets(%dma_start3A_33 : memref<80xi32, #tpu.memory_space<vmem>>) semaphore(%arg12 : memref<!tpu.dma_semaphore, #tpu.memory_space<semaphore_mem>>)
      %dma_wait3A_37 = arith.constant 0 : i32
      %dma_wait3A_38 = arith.constant 0 : i32
      %dma_wait3A_39 = tpu.memref_slice %arg7[%dma_wait3A_37, %dma_wait3A_38] : memref<2x80xi32, #tpu.memory_space<vmem>> -> memref<1x80xi32, #tpu.memory_space<vmem>>
      %dma_wait3A_40 = tpu.memref_squeeze %dma_wait3A_39 : memref<1x80xi32, #tpu.memory_space<vmem>> -> memref<80xi32, #tpu.memory_space<vmem>>
      %dma_wait3A_41 = arith.constant 0 : i32
      %dma_wait3A_42 = arith.constant 0 : i32
      %dma_wait3A_43 = tpu.memref_slice %arg2[%dma_wait3A_41, %dma_wait3A_42] : memref<10000x128xf32, #tpu.memory_space<hbm>> -> memref<10000x128xf32, #tpu.memory_space<hbm>>
      tpu.wait_indirect_dma semaphore(%arg11 : memref<!tpu.dma_semaphore, #tpu.memory_space<semaphore_mem>>) src(%dma_wait3A_43 : memref<10000x128xf32, #tpu.memory_space<hbm>>) dst(%arg9 : memref<80x128xf32, #tpu.memory_space<vmem>>)
      %run_scoped3A_44 = arith.constant 1 : i32
      "tpu.region"() ({
        %run_scoped3A_100 = tpu.sem_alloc : memref<!tpu.dma_semaphore, #tpu.memory_space<semaphore_mem>>
        %dma_start3A_101 = arith.constant 0 : i32
        %dma_start3A_102 = tpu.memref_slice %arg7[%run_scoped3A_44, %dma_start3A_101] : memref<2x80xi32, #tpu.memory_space<vmem>> -> memref<1x80xi32, #tpu.memory_space<vmem>>
        %dma_start3A_103 = tpu.memref_squeeze %dma_start3A_102 : memref<1x80xi32, #tpu.memory_space<vmem>> -> memref<80xi32, #tpu.memory_space<vmem>>
        %dma_start3A_104 = arith.constant 0 : i32
        %dma_start3A_105 = arith.constant 0 : i32
        %dma_start3A_106 = tpu.memref_slice %arg6[%dma_start3A_104, %dma_start3A_105] : memref<10240x128xf32, #tpu.memory_space<vmem_shared>> -> memref<10240x128xf32, #tpu.memory_space<vmem_shared>>
        tpu.enqueue_indirect_dma source(%arg9 : memref<80x128xf32, #tpu.memory_space<vmem>>) target(%dma_start3A_106 : memref<10240x128xf32, #tpu.memory_space<vmem_shared>>) offsets(%dma_start3A_103 : memref<80xi32, #tpu.memory_space<vmem>>) semaphore(%run_scoped3A_100 : memref<!tpu.dma_semaphore, #tpu.memory_space<semaphore_mem>>) {add = true}
        %dma_wait3A_107 = arith.constant 0 : i32
        %dma_wait3A_108 = tpu.memref_slice %arg7[%run_scoped3A_44, %dma_wait3A_107] : memref<2x80xi32, #tpu.memory_space<vmem>> -> memref<1x80xi32, #tpu.memory_space<vmem>>
        %dma_wait3A_109 = tpu.memref_squeeze %dma_wait3A_108 : memref<1x80xi32, #tpu.memory_space<vmem>> -> memref<80xi32, #tpu.memory_space<vmem>>
        %dma_wait3A_110 = arith.constant 0 : i32
        %dma_wait3A_111 = arith.constant 0 : i32
        %dma_wait3A_112 = tpu.memref_slice %arg6[%dma_wait3A_110, %dma_wait3A_111] : memref<10240x128xf32, #tpu.memory_space<vmem_shared>> -> memref<10240x128xf32, #tpu.memory_space<vmem_shared>>
        tpu.wait_indirect_dma semaphore(%run_scoped3A_100 : memref<!tpu.dma_semaphore, #tpu.memory_space<semaphore_mem>>) src(%arg9 : memref<80x128xf32, #tpu.memory_space<vmem>>) dst(%dma_wait3A_112 : memref<10240x128xf32, #tpu.memory_space<vmem_shared>>)
        tpu.yield
      }) : () -> ()
      %add3A_45 = arith.constant 2 : i32
      %add3A_46 = arith.addi %mul3A_29, %add3A_45 : i32
      %dma_start3A_47 = arith.constant 0 : i32
      %dma_start3A_48 = arith.constant 0 : i32
      %dma_start3A_49 = tpu.memref_slice %arg3[%add3A, %add3A_46, %dma_start3A_47, %dma_start3A_48] : memref<32x128x2x80xi32, #tpu.memory_space<hbm>> -> memref<1x1x2x80xi32, #tpu.memory_space<hbm>>
      %dma_start3A_50 = tpu.memref_squeeze %dma_start3A_49 : memref<1x1x2x80xi32, #tpu.memory_space<hbm>> -> memref<2x80xi32, #tpu.memory_space<hbm>>
      %dma_start3A_51 = arith.constant 0 : i32
      %dma_start3A_52 = arith.constant 0 : i32
      %dma_start3A_53 = tpu.memref_slice %arg3[%add3A, %add3A_46, %dma_start3A_51, %dma_start3A_52] : memref<32x128x2x80xi32, #tpu.memory_space<hbm>> -> memref<1x1x2x80xi32, #tpu.memory_space<hbm>>
      %dma_start3A_54 = tpu.memref_squeeze %dma_start3A_53 : memref<1x1x2x80xi32, #tpu.memory_space<hbm>> -> memref<2x80xi32, #tpu.memory_space<hbm>>
      tpu.enqueue_dma source(%dma_start3A_54 : memref<2x80xi32, #tpu.memory_space<hbm>>) target(%arg7 : memref<2x80xi32, #tpu.memory_space<vmem>>) target_semaphore(%arg13 : memref<!tpu.dma_semaphore, #tpu.memory_space<semaphore_mem>>)
      %dma_wait3A_55 = arith.constant 0 : i32
      %dma_wait3A_56 = arith.constant 0 : i32
      %dma_wait3A_57 = tpu.memref_slice %arg8[%dma_wait3A_55, %dma_wait3A_56] : memref<2x80xi32, #tpu.memory_space<vmem>> -> memref<1x80xi32, #tpu.memory_space<vmem>>
      %dma_wait3A_58 = tpu.memref_squeeze %dma_wait3A_57 : memref<1x80xi32, #tpu.memory_space<vmem>> -> memref<80xi32, #tpu.memory_space<vmem>>
      %dma_wait3A_59 = arith.constant 0 : i32
      %dma_wait3A_60 = arith.constant 0 : i32
      %dma_wait3A_61 = tpu.memref_slice %arg2[%dma_wait3A_59, %dma_wait3A_60] : memref<10000x128xf32, #tpu.memory_space<hbm>> -> memref<10000x128xf32, #tpu.memory_space<hbm>>
      tpu.wait_indirect_dma semaphore(%arg12 : memref<!tpu.dma_semaphore, #tpu.memory_space<semaphore_mem>>) src(%dma_wait3A_61 : memref<10000x128xf32, #tpu.memory_space<hbm>>) dst(%arg10 : memref<80x128xf32, #tpu.memory_space<vmem>>)
      %run_scoped3A_62 = arith.constant 1 : i32
      "tpu.region"() ({
        %run_scoped3A_100 = tpu.sem_alloc : memref<!tpu.dma_semaphore, #tpu.memory_space<semaphore_mem>>
        %dma_start3A_101 = arith.constant 0 : i32
        %dma_start3A_102 = tpu.memref_slice %arg8[%run_scoped3A_62, %dma_start3A_101] : memref<2x80xi32, #tpu.memory_space<vmem>> -> memref<1x80xi32, #tpu.memory_space<vmem>>
        %dma_start3A_103 = tpu.memref_squeeze %dma_start3A_102 : memref<1x80xi32, #tpu.memory_space<vmem>> -> memref<80xi32, #tpu.memory_space<vmem>>
        %dma_start3A_104 = arith.constant 0 : i32
        %dma_start3A_105 = arith.constant 0 : i32
        %dma_start3A_106 = tpu.memref_slice %arg6[%dma_start3A_104, %dma_start3A_105] : memref<10240x128xf32, #tpu.memory_space<vmem_shared>> -> memref<10240x128xf32, #tpu.memory_space<vmem_shared>>
        tpu.enqueue_indirect_dma source(%arg10 : memref<80x128xf32, #tpu.memory_space<vmem>>) target(%dma_start3A_106 : memref<10240x128xf32, #tpu.memory_space<vmem_shared>>) offsets(%dma_start3A_103 : memref<80xi32, #tpu.memory_space<vmem>>) semaphore(%run_scoped3A_100 : memref<!tpu.dma_semaphore, #tpu.memory_space<semaphore_mem>>) {add = true}
        %dma_wait3A_107 = arith.constant 0 : i32
        %dma_wait3A_108 = tpu.memref_slice %arg8[%run_scoped3A_62, %dma_wait3A_107] : memref<2x80xi32, #tpu.memory_space<vmem>> -> memref<1x80xi32, #tpu.memory_space<vmem>>
        %dma_wait3A_109 = tpu.memref_squeeze %dma_wait3A_108 : memref<1x80xi32, #tpu.memory_space<vmem>> -> memref<80xi32, #tpu.memory_space<vmem>>
        %dma_wait3A_110 = arith.constant 0 : i32
        %dma_wait3A_111 = arith.constant 0 : i32
        %dma_wait3A_112 = tpu.memref_slice %arg6[%dma_wait3A_110, %dma_wait3A_111] : memref<10240x128xf32, #tpu.memory_space<vmem_shared>> -> memref<10240x128xf32, #tpu.memory_space<vmem_shared>>
        tpu.wait_indirect_dma semaphore(%run_scoped3A_100 : memref<!tpu.dma_semaphore, #tpu.memory_space<semaphore_mem>>) src(%arg10 : memref<80x128xf32, #tpu.memory_space<vmem>>) dst(%dma_wait3A_112 : memref<10240x128xf32, #tpu.memory_space<vmem_shared>>)
        tpu.yield
      }) : () -> ()
      %add3A_63 = arith.constant 3 : i32
      %add3A_64 = arith.addi %mul3A_29, %add3A_63 : i32
      %dma_start3A_65 = arith.constant 0 : i32
      %dma_start3A_66 = arith.constant 0 : i32
      %dma_start3A_67 = tpu.memref_slice %arg3[%add3A, %add3A_64, %dma_start3A_65, %dma_start3A_66] : memref<32x128x2x80xi32, #tpu.memory_space<hbm>> -> memref<1x1x2x80xi32, #tpu.memory_space<hbm>>
      %dma_start3A_68 = tpu.memref_squeeze %dma_start3A_67 : memref<1x1x2x80xi32, #tpu.memory_space<hbm>> -> memref<2x80xi32, #tpu.memory_space<hbm>>
      %dma_start3A_69 = arith.constant 0 : i32
      %dma_start3A_70 = arith.constant 0 : i32
      %dma_start3A_71 = tpu.memref_slice %arg3[%add3A, %add3A_64, %dma_start3A_69, %dma_start3A_70] : memref<32x128x2x80xi32, #tpu.memory_space<hbm>> -> memref<1x1x2x80xi32, #tpu.memory_space<hbm>>
      %dma_start3A_72 = tpu.memref_squeeze %dma_start3A_71 : memref<1x1x2x80xi32, #tpu.memory_space<hbm>> -> memref<2x80xi32, #tpu.memory_space<hbm>>
      tpu.enqueue_dma source(%dma_start3A_72 : memref<2x80xi32, #tpu.memory_space<hbm>>) target(%arg8 : memref<2x80xi32, #tpu.memory_space<vmem>>) target_semaphore(%arg14 : memref<!tpu.dma_semaphore, #tpu.memory_space<semaphore_mem>>)
      %add3A_73 = arith.constant 2 : i32
      %add3A_74 = arith.addi %mul3A_29, %add3A_73 : i32
      %dma_wait3A_75 = arith.constant 0 : i32
      %dma_wait3A_76 = arith.constant 0 : i32
      %dma_wait3A_77 = tpu.memref_slice %arg3[%add3A, %add3A_74, %dma_wait3A_75, %dma_wait3A_76] : memref<32x128x2x80xi32, #tpu.memory_space<hbm>> -> memref<1x1x2x80xi32, #tpu.memory_space<hbm>>
      %dma_wait3A_78 = tpu.memref_squeeze %dma_wait3A_77 : memref<1x1x2x80xi32, #tpu.memory_space<hbm>> -> memref<2x80xi32, #tpu.memory_space<hbm>>
      %dma_wait3A_79 = arith.constant 0 : i32
      %dma_wait3A_80 = arith.constant 0 : i32
      %dma_wait3A_81 = tpu.memref_slice %arg3[%add3A, %add3A_74, %dma_wait3A_79, %dma_wait3A_80] : memref<32x128x2x80xi32, #tpu.memory_space<hbm>> -> memref<1x1x2x80xi32, #tpu.memory_space<hbm>>
      %dma_wait3A_82 = tpu.memref_squeeze %dma_wait3A_81 : memref<1x1x2x80xi32, #tpu.memory_space<hbm>> -> memref<2x80xi32, #tpu.memory_space<hbm>>
      tpu.wait_dma2 semaphore(%arg13 : memref<!tpu.dma_semaphore, #tpu.memory_space<semaphore_mem>>) src(%dma_wait3A_82 : memref<2x80xi32, #tpu.memory_space<hbm>>) dst(%arg7 : memref<2x80xi32, #tpu.memory_space<vmem>>)
      %dma_start3A_83 = arith.constant 0 : i32
      %dma_start3A_84 = arith.constant 0 : i32
      %dma_start3A_85 = tpu.memref_slice %arg7[%dma_start3A_83, %dma_start3A_84] : memref<2x80xi32, #tpu.memory_space<vmem>> -> memref<1x80xi32, #tpu.memory_space<vmem>>
      %dma_start3A_86 = tpu.memref_squeeze %dma_start3A_85 : memref<1x80xi32, #tpu.memory_space<vmem>> -> memref<80xi32, #tpu.memory_space<vmem>>
      %dma_start3A_87 = arith.constant 0 : i32
      %dma_start3A_88 = arith.constant 0 : i32
      %dma_start3A_89 = tpu.memref_slice %arg2[%dma_start3A_87, %dma_start3A_88] : memref<10000x128xf32, #tpu.memory_space<hbm>> -> memref<10000x128xf32, #tpu.memory_space<hbm>>
      tpu.enqueue_indirect_dma source(%dma_start3A_89 : memref<10000x128xf32, #tpu.memory_space<hbm>>) target(%arg9 : memref<80x128xf32, #tpu.memory_space<vmem>>) offsets(%dma_start3A_86 : memref<80xi32, #tpu.memory_space<vmem>>) semaphore(%arg11 : memref<!tpu.dma_semaphore, #tpu.memory_space<semaphore_mem>>)
      %add3A_90 = arith.constant 3 : i32
      %add3A_91 = arith.addi %mul3A_29, %add3A_90 : i32
      %dma_wait3A_92 = arith.constant 0 : i32
      %dma_wait3A_93 = arith.constant 0 : i32
      %dma_wait3A_94 = tpu.memref_slice %arg3[%add3A, %add3A_91, %dma_wait3A_92, %dma_wait3A_93] : memref<32x128x2x80xi32, #tpu.memory_space<hbm>> -> memref<1x1x2x80xi32, #tpu.memory_space<hbm>>
      %dma_wait3A_95 = tpu.memref_squeeze %dma_wait3A_94 : memref<1x1x2x80xi32, #tpu.memory_space<hbm>> -> memref<2x80xi32, #tpu.memory_space<hbm>>
      %dma_wait3A_96 = arith.constant 0 : i32
      %dma_wait3A_97 = arith.constant 0 : i32
      %dma_wait3A_98 = tpu.memref_slice %arg3[%add3A, %add3A_91, %dma_wait3A_96, %dma_wait3A_97] : memref<32x128x2x80xi32, #tpu.memory_space<hbm>> -> memref<1x1x2x80xi32, #tpu.memory_space<hbm>>
      %dma_wait3A_99 = tpu.memref_squeeze %dma_wait3A_98 : memref<1x1x2x80xi32, #tpu.memory_space<hbm>> -> memref<2x80xi32, #tpu.memory_space<hbm>>
      tpu.wait_dma2 semaphore(%arg14 : memref<!tpu.dma_semaphore, #tpu.memory_space<semaphore_mem>>) src(%dma_wait3A_99 : memref<2x80xi32, #tpu.memory_space<hbm>>) dst(%arg8 : memref<2x80xi32, #tpu.memory_space<vmem>>)
    }
    %scan3A_14 = arith.constant 62 : i32
    %dma_wait3A = arith.constant 0 : i32
    %dma_wait3A_15 = arith.constant 0 : i32
    %dma_wait3A_16 = tpu.memref_slice %arg7[%dma_wait3A, %dma_wait3A_15] : memref<2x80xi32, #tpu.memory_space<vmem>> -> memref<1x80xi32, #tpu.memory_space<vmem>>
    %dma_wait3A_17 = tpu.memref_squeeze %dma_wait3A_16 : memref<1x80xi32, #tpu.memory_space<vmem>> -> memref<80xi32, #tpu.memory_space<vmem>>
    %dma_wait3A_18 = arith.constant 0 : i32
    %dma_wait3A_19 = arith.constant 0 : i32
    %dma_wait3A_20 = tpu.memref_slice %arg2[%dma_wait3A_18, %dma_wait3A_19] : memref<10000x128xf32, #tpu.memory_space<hbm>> -> memref<10000x128xf32, #tpu.memory_space<hbm>>
    tpu.wait_indirect_dma semaphore(%arg11 : memref<!tpu.dma_semaphore, #tpu.memory_space<semaphore_mem>>) src(%dma_wait3A_20 : memref<10000x128xf32, #tpu.memory_space<hbm>>) dst(%arg9 : memref<80x128xf32, #tpu.memory_space<vmem>>)
    %run_scoped3A_21 = arith.constant 1 : i32
    "tpu.region"() ({
      %run_scoped3A_27 = tpu.sem_alloc : memref<!tpu.dma_semaphore, #tpu.memory_space<semaphore_mem>>
      %dma_start3A_28 = arith.constant 0 : i32
      %dma_start3A_29 = tpu.memref_slice %arg7[%run_scoped3A_21, %dma_start3A_28] : memref<2x80xi32, #tpu.memory_space<vmem>> -> memref<1x80xi32, #tpu.memory_space<vmem>>
      %dma_start3A_30 = tpu.memref_squeeze %dma_start3A_29 : memref<1x80xi32, #tpu.memory_space<vmem>> -> memref<80xi32, #tpu.memory_space<vmem>>
      %dma_start3A_31 = arith.constant 0 : i32
      %dma_start3A_32 = arith.constant 0 : i32
      %dma_start3A_33 = tpu.memref_slice %arg6[%dma_start3A_31, %dma_start3A_32] : memref<10240x128xf32, #tpu.memory_space<vmem_shared>> -> memref<10240x128xf32, #tpu.memory_space<vmem_shared>>
      tpu.enqueue_indirect_dma source(%arg9 : memref<80x128xf32, #tpu.memory_space<vmem>>) target(%dma_start3A_33 : memref<10240x128xf32, #tpu.memory_space<vmem_shared>>) offsets(%dma_start3A_30 : memref<80xi32, #tpu.memory_space<vmem>>) semaphore(%run_scoped3A_27 : memref<!tpu.dma_semaphore, #tpu.memory_space<semaphore_mem>>) {add = true}
      %dma_wait3A_34 = arith.constant 0 : i32
      %dma_wait3A_35 = tpu.memref_slice %arg7[%run_scoped3A_21, %dma_wait3A_34] : memref<2x80xi32, #tpu.memory_space<vmem>> -> memref<1x80xi32, #tpu.memory_space<vmem>>
      %dma_wait3A_36 = tpu.memref_squeeze %dma_wait3A_35 : memref<1x80xi32, #tpu.memory_space<vmem>> -> memref<80xi32, #tpu.memory_space<vmem>>
      %dma_wait3A_37 = arith.constant 0 : i32
      %dma_wait3A_38 = arith.constant 0 : i32
      %dma_wait3A_39 = tpu.memref_slice %arg6[%dma_wait3A_37, %dma_wait3A_38] : memref<10240x128xf32, #tpu.memory_space<vmem_shared>> -> memref<10240x128xf32, #tpu.memory_space<vmem_shared>>
      tpu.wait_indirect_dma semaphore(%run_scoped3A_27 : memref<!tpu.dma_semaphore, #tpu.memory_space<semaphore_mem>>) src(%arg9 : memref<80x128xf32, #tpu.memory_space<vmem>>) dst(%dma_wait3A_39 : memref<10240x128xf32, #tpu.memory_space<vmem_shared>>)
      tpu.yield
    }) : () -> ()
    %barrier3A_22 = arith.constant 0 : index
    tpu.barrier barrier_id(%barrier3A_22)
    %mul3A_23 = arith.constant 640 : i32
    %mul3A_24 = arith.muli %arg1, %mul3A_23 : i32
    %mul3A_25 = arith.constant 640 : i32
    %mul3A_26 = arith.muli %arg1, %mul3A_25 : i32
    "tpu.region"() ({
      %run_scoped3A_27 = tpu.sem_alloc : memref<!tpu.dma_semaphore, #tpu.memory_space<semaphore_mem>>
      %dma_start3A_28 = arith.constant 0 : i32
      %dma_start3A_29 = tpu.memref_slice %arg5[%arg0, %mul3A_26, %dma_start3A_28] : memref<2x10240x128xf32, #tpu.memory_space<hbm>> -> memref<1x640x128xf32, #tpu.memory_space<hbm>>
      %dma_start3A_30 = tpu.memref_squeeze %dma_start3A_29 : memref<1x640x128xf32, #tpu.memory_space<hbm>> -> memref<640x128xf32, #tpu.memory_space<hbm>>
      %dma_start3A_31 = arith.constant 0 : i32
      %dma_start3A_32 = tpu.memref_slice %arg6[%mul3A_24, %dma_start3A_31] : memref<10240x128xf32, #tpu.memory_space<vmem_shared>> -> memref<640x128xf32, #tpu.memory_space<vmem_shared>>
      tpu.enqueue_dma source(%dma_start3A_32 : memref<640x128xf32, #tpu.memory_space<vmem_shared>>) target(%dma_start3A_30 : memref<640x128xf32, #tpu.memory_space<hbm>>) target_semaphore(%run_scoped3A_27 : memref<!tpu.dma_semaphore, #tpu.memory_space<semaphore_mem>>)
      %dma_wait3A_33 = arith.constant 0 : i32
      %dma_wait3A_34 = tpu.memref_slice %arg5[%arg0, %mul3A_26, %dma_wait3A_33] : memref<2x10240x128xf32, #tpu.memory_space<hbm>> -> memref<1x640x128xf32, #tpu.memory_space<hbm>>
      %dma_wait3A_35 = tpu.memref_squeeze %dma_wait3A_34 : memref<1x640x128xf32, #tpu.memory_space<hbm>> -> memref<640x128xf32, #tpu.memory_space<hbm>>
      %dma_wait3A_36 = arith.constant 0 : i32
      %dma_wait3A_37 = tpu.memref_slice %arg6[%mul3A_24, %dma_wait3A_36] : memref<10240x128xf32, #tpu.memory_space<vmem_shared>> -> memref<640x128xf32, #tpu.memory_space<vmem_shared>>
      tpu.wait_dma2 semaphore(%run_scoped3A_27 : memref<!tpu.dma_semaphore, #tpu.memory_space<semaphore_mem>>) src(%dma_wait3A_37 : memref<640x128xf32, #tpu.memory_space<vmem_shared>>) dst(%dma_wait3A_35 : memref<640x128xf32, #tpu.memory_space<hbm>>)
      tpu.yield
    }) : () -> ()
    return
  }
}

module attributes {stable_mosaic.version = 14 : i64} {
  func.func @_tc1_body(%arg0: i32, %arg1: memref<1000x128xf32, #tpu.memory_space<vmem>>, %arg2: memref<2x1000x128xf32, #tpu.memory_space<vmem>>, %arg3: memref<128x128xf32, #tpu.memory_space<vmem>>, %arg4: memref<1x128xf32, #tpu.memory_space<vmem>>, %arg5: memref<128x128xf32, #tpu.memory_space<vmem>>, %arg6: memref<1x128xf32, #tpu.memory_space<vmem>>, %arg7: memref<128x128xf32, #tpu.memory_space<vmem>>, %arg8: memref<1000x128xf32, #tpu.memory_space<vmem>>, %arg9: memref<1000x8xf32, #tpu.memory_space<vmem>>) attributes {dimension_semantics = [#tpu.dimension_semantics<arbitrary>], iteration_bounds = array<i64: 10>, scalar_prefetch = 0 : i64, scratch_operands = 0 : i64, tpu.core_type = #tpu.core_type<tc>, window_params = [{transform_indices = @transform_0, window_bounds = array<i64: 1000, 128>}, {transform_indices = @transform_1, window_bounds = array<i64: 2, 1000, 128>}, {pipeline_mode = #tpu.pipeline_mode<synchronous>, transform_indices = @transform_2, window_bounds = array<i64: 128, 128>}, {pipeline_mode = #tpu.pipeline_mode<synchronous>, transform_indices = @transform_3, window_bounds = array<i64: 1, 128>}, {pipeline_mode = #tpu.pipeline_mode<synchronous>, transform_indices = @transform_4, window_bounds = array<i64: 128, 128>}, {pipeline_mode = #tpu.pipeline_mode<synchronous>, transform_indices = @transform_5, window_bounds = array<i64: 1, 128>}, {pipeline_mode = #tpu.pipeline_mode<synchronous>, transform_indices = @transform_6, window_bounds = array<i64: 128, 128>}, {transform_indices = @transform_7, window_bounds = array<i64: 1000, 128>}, {transform_indices = @transform_8, window_bounds = array<i64: 1000, 8>}]} {
    %get3A = arith.constant 0 : index
    %get3A_0 = arith.constant 0 : index
    %get3A_1 = arith.constant 0 : index
    %get3A_2 = vector.load %arg2[%get3A, %get3A_0, %get3A_1] : memref<2x1000x128xf32, #tpu.memory_space<vmem>>, vector<1x1000x1xf32>
    %get3A_3 = vector.shape_cast %get3A_2 : vector<1x1000x1xf32> to vector<1000x1xf32>
    %get3A_4 = arith.constant 1 : index
    %get3A_5 = arith.constant 0 : index
    %get3A_6 = arith.constant 0 : index
    %get3A_7 = vector.load %arg2[%get3A_4, %get3A_5, %get3A_6] : memref<2x1000x128xf32, #tpu.memory_space<vmem>>, vector<1x1000x1xf32>
    %get3A_8 = vector.shape_cast %get3A_7 : vector<1x1000x1xf32> to vector<1000x1xf32>
    %add3A = arith.addf %get3A_3, %get3A_8 : vector<1000x1xf32>
    %add3A_9 = arith.constant 1.000000e+00 : f32
    %add3A_10 = vector.broadcast %add3A_9 : f32 to vector<1000x1xf32>
    %add3A_11 = arith.addf %add3A, %add3A_10 : vector<1000x1xf32>
    %rsqrt3A = math.rsqrt %add3A_11 : vector<1000x1xf32>
    %get3A_12 = arith.constant 0 : index
    %get3A_13 = arith.constant 0 : index
    %get3A_14 = vector.load %arg1[%get3A_12, %get3A_13] : memref<1000x128xf32, #tpu.memory_space<vmem>>, vector<1000x128xf32>
    %get3A_15 = arith.constant 0 : index
    %get3A_16 = arith.constant 0 : index
    %get3A_17 = vector.load %arg3[%get3A_15, %get3A_16] : memref<128x128xf32, #tpu.memory_space<vmem>>, vector<128x128xf32>
    %dot_general3A = arith.constant dense<0.000000e+00> : vector<1000x128xf32>
    %dot_general3A_18 = tpu.matmul %get3A_14, %get3A_17, %dot_general3A {dimension_numbers = #tpu.dot_dimension_numbers<[1], [0], [0], [1], [0, 0, 1, 1], [], []>, transpose_lhs_hint = false} : vector<1000x128xf32>, vector<128x128xf32>, vector<1000x128xf32> -> vector<1000x128xf32>
    %get3A_19 = arith.constant 0 : index
    %get3A_20 = arith.constant 0 : index
    %get3A_21 = vector.load %arg4[%get3A_19, %get3A_20] : memref<1x128xf32, #tpu.memory_space<vmem>>, vector<1x128xf32>
    %add3A_22 = vector.broadcast %get3A_21 : vector<1x128xf32> to vector<1000x128xf32>
    %add3A_23 = arith.addf %dot_general3A_18, %add3A_22 : vector<1000x128xf32>
    %gt3A = arith.constant 0.000000e+00 : f32
    %gt3A_24 = vector.broadcast %gt3A : f32 to vector<1000x128xf32>
    %gt3A_25 = arith.cmpf ogt, %add3A_23, %gt3A_24 : vector<1000x128xf32>
    %mul3A = arith.constant 0.00999999977 : f32
    %mul3A_26 = vector.broadcast %mul3A : f32 to vector<1000x128xf32>
    %mul3A_27 = arith.mulf %mul3A_26, %add3A_23 : vector<1000x128xf32>
    %select_n3A = arith.select %gt3A_25, %add3A_23, %mul3A_27 : vector<1000x128xi1>, vector<1000x128xf32>
    %get3A_28 = arith.constant 0 : index
    %get3A_29 = arith.constant 0 : index
    %get3A_30 = vector.load %arg5[%get3A_28, %get3A_29] : memref<128x128xf32, #tpu.memory_space<vmem>>, vector<128x128xf32>
    %dot_general3A_31 = arith.constant dense<0.000000e+00> : vector<1000x128xf32>
    %dot_general3A_32 = tpu.matmul %select_n3A, %get3A_30, %dot_general3A_31 {dimension_numbers = #tpu.dot_dimension_numbers<[1], [0], [0], [1], [0, 0, 1, 1], [], []>, transpose_lhs_hint = false} : vector<1000x128xf32>, vector<128x128xf32>, vector<1000x128xf32> -> vector<1000x128xf32>
    %get3A_33 = arith.constant 0 : index
    %get3A_34 = arith.constant 0 : index
    %get3A_35 = vector.load %arg6[%get3A_33, %get3A_34] : memref<1x128xf32, #tpu.memory_space<vmem>>, vector<1x128xf32>
    %add3A_36 = vector.broadcast %get3A_35 : vector<1x128xf32> to vector<1000x128xf32>
    %add3A_37 = arith.addf %dot_general3A_32, %add3A_36 : vector<1000x128xf32>
    %get3A_38 = arith.constant 0 : index
    %get3A_39 = arith.constant 0 : index
    %get3A_40 = vector.load %arg7[%get3A_38, %get3A_39] : memref<128x128xf32, #tpu.memory_space<vmem>>, vector<128x128xf32>
    %dot_general3A_41 = arith.constant dense<0.000000e+00> : vector<1000x128xf32>
    %dot_general3A_42 = tpu.matmul %add3A_37, %get3A_40, %dot_general3A_41 {dimension_numbers = #tpu.dot_dimension_numbers<[1], [0], [0], [1], [0, 0, 1, 1], [], []>, transpose_lhs_hint = false} : vector<1000x128xf32>, vector<128x128xf32>, vector<1000x128xf32> -> vector<1000x128xf32>
    %mul3A_43 = vector.broadcast %rsqrt3A : vector<1000x1xf32> to vector<1000x128xf32>
    %mul3A_44 = arith.mulf %mul3A_43, %dot_general3A_42 : vector<1000x128xf32>
    %swap3A = arith.constant 0 : index
    %swap3A_45 = arith.constant 0 : index
    %swap3A_46 = vector.load %arg8[%swap3A, %swap3A_45] : memref<1000x128xf32, #tpu.memory_space<vmem>>, vector<1000x128xf32>
    tpu.vector_store %arg8[%swap3A, %swap3A_45], %mul3A_44 {strides = array<i32>} : memref<1000x128xf32, #tpu.memory_space<vmem>>, vector<1000x128xf32>,
    %broadcast_in_dim3A = vector.shape_cast %rsqrt3A : vector<1000x1xf32> to vector<1000x1xf32>
    %broadcast_in_dim3A_47 = vector.broadcast %broadcast_in_dim3A : vector<1000x1xf32> to vector<1000x8xf32>
    %swap3A_48 = arith.constant 0 : index
    %swap3A_49 = arith.constant 0 : index
    %swap3A_50 = vector.load %arg9[%swap3A_48, %swap3A_49] : memref<1000x8xf32, #tpu.memory_space<vmem>>, vector<1000x8xf32>
    tpu.vector_store %arg9[%swap3A_48, %swap3A_49], %broadcast_in_dim3A_47 {strides = array<i32>} : memref<1000x8xf32, #tpu.memory_space<vmem>>, vector<1000x8xf32>,
    return
  }
  func.func @transform_0(%arg0: i32) -> (i32, i32) {
    %c0_i32 = arith.constant 0 : i32
    %c0_i32_0 = arith.constant 0 : i32
    return %arg0, %c0_i32 : i32, i32
  }
  func.func @transform_1(%arg0: i32) -> (i32, i32, i32) {
    %c0_i32 = arith.constant 0 : i32
    %c0_i32_0 = arith.constant 0 : i32
    %c0_i32_1 = arith.constant 0 : i32
    return %c0_i32, %arg0, %c0_i32_0 : i32, i32, i32
  }
  func.func @transform_2(%arg0: i32) -> (i32, i32) {
    %c0_i32 = arith.constant 0 : i32
    %c0_i32_0 = arith.constant 0 : i32
    %c0_i32_1 = arith.constant 0 : i32
    return %c0_i32, %c0_i32_0 : i32, i32
  }
  func.func @transform_3(%arg0: i32) -> (i32, i32) {
    %c0_i32 = arith.constant 0 : i32
    %c0_i32_0 = arith.constant 0 : i32
    %c0_i32_1 = arith.constant 0 : i32
    return %c0_i32, %c0_i32_0 : i32, i32
  }
  func.func @transform_4(%arg0: i32) -> (i32, i32) {
    %c0_i32 = arith.constant 0 : i32
    %c0_i32_0 = arith.constant 0 : i32
    %c0_i32_1 = arith.constant 0 : i32
    return %c0_i32, %c0_i32_0 : i32, i32
  }
  func.func @transform_5(%arg0: i32) -> (i32, i32) {
    %c0_i32 = arith.constant 0 : i32
    %c0_i32_0 = arith.constant 0 : i32
    %c0_i32_1 = arith.constant 0 : i32
    return %c0_i32, %c0_i32_0 : i32, i32
  }
  func.func @transform_6(%arg0: i32) -> (i32, i32) {
    %c0_i32 = arith.constant 0 : i32
    %c0_i32_0 = arith.constant 0 : i32
    %c0_i32_1 = arith.constant 0 : i32
    return %c0_i32, %c0_i32_0 : i32, i32
  }
  func.func @transform_7(%arg0: i32) -> (i32, i32) {
    %c0_i32 = arith.constant 0 : i32
    %c0_i32_0 = arith.constant 0 : i32
    return %arg0, %c0_i32 : i32, i32
  }
  func.func @transform_8(%arg0: i32) -> (i32, i32) {
    %c0_i32 = arith.constant 0 : i32
    %c0_i32_0 = arith.constant 0 : i32
    return %arg0, %c0_i32 : i32, i32
  }
}

module attributes {stable_mosaic.version = 14 : i64} {
  func.func @_tc2_body(%arg0: i32, %arg1: memref<2x1000x128xf32, #tpu.memory_space<vmem>>, %arg2: memref<1000x128xf32, #tpu.memory_space<vmem>>, %arg3: memref<1000x8xf32, #tpu.memory_space<vmem>>, %arg4: memref<1x128xf32, #tpu.memory_space<vmem>>, %arg5: memref<128x128xf32, #tpu.memory_space<vmem>>, %arg6: memref<1000x128xf32, #tpu.memory_space<vmem>>) attributes {dimension_semantics = [#tpu.dimension_semantics<arbitrary>], iteration_bounds = array<i64: 10>, scalar_prefetch = 0 : i64, scratch_operands = 0 : i64, tpu.core_type = #tpu.core_type<tc>, window_params = [{transform_indices = @transform_0, window_bounds = array<i64: 2, 1000, 128>}, {transform_indices = @transform_1, window_bounds = array<i64: 1000, 128>}, {transform_indices = @transform_2, window_bounds = array<i64: 1000, 8>}, {pipeline_mode = #tpu.pipeline_mode<synchronous>, transform_indices = @transform_3, window_bounds = array<i64: 1, 128>}, {pipeline_mode = #tpu.pipeline_mode<synchronous>, transform_indices = @transform_4, window_bounds = array<i64: 128, 128>}, {transform_indices = @transform_5, window_bounds = array<i64: 1000, 128>}]} {
    %get3A = arith.constant 0 : index
    %get3A_0 = arith.constant 0 : index
    %get3A_1 = vector.load %arg3[%get3A, %get3A_0] : memref<1000x8xf32, #tpu.memory_space<vmem>>, vector<1000x1xf32>
    %get3A_2 = arith.constant 0 : index
    %get3A_3 = arith.constant 0 : index
    %get3A_4 = arith.constant 0 : index
    %get3A_5 = vector.load %arg1[%get3A_2, %get3A_3, %get3A_4] : memref<2x1000x128xf32, #tpu.memory_space<vmem>>, vector<1x1000x128xf32>
    %get3A_6 = vector.shape_cast %get3A_5 : vector<1x1000x128xf32> to vector<1000x128xf32>
    %get3A_7 = arith.constant 1 : index
    %get3A_8 = arith.constant 0 : index
    %get3A_9 = arith.constant 0 : index
    %get3A_10 = vector.load %arg1[%get3A_7, %get3A_8, %get3A_9] : memref<2x1000x128xf32, #tpu.memory_space<vmem>>, vector<1x1000x128xf32>
    %get3A_11 = vector.shape_cast %get3A_10 : vector<1x1000x128xf32> to vector<1000x128xf32>
    %add3A = arith.addf %get3A_6, %get3A_11 : vector<1000x128xf32>
    %get3A_12 = arith.constant 0 : index
    %get3A_13 = arith.constant 0 : index
    %get3A_14 = vector.load %arg2[%get3A_12, %get3A_13] : memref<1000x128xf32, #tpu.memory_space<vmem>>, vector<1000x128xf32>
    %add3A_15 = arith.addf %add3A, %get3A_14 : vector<1000x128xf32>
    %mul3A = vector.broadcast %get3A_1 : vector<1000x1xf32> to vector<1000x128xf32>
    %mul3A_16 = arith.mulf %mul3A, %add3A_15 : vector<1000x128xf32>
    %get3A_17 = arith.constant 0 : index
    %get3A_18 = arith.constant 0 : index
    %get3A_19 = vector.load %arg4[%get3A_17, %get3A_18] : memref<1x128xf32, #tpu.memory_space<vmem>>, vector<1x128xf32>
    %add3A_20 = vector.broadcast %get3A_19 : vector<1x128xf32> to vector<1000x128xf32>
    %add3A_21 = arith.addf %mul3A_16, %add3A_20 : vector<1000x128xf32>
    %gt3A = arith.constant 0.000000e+00 : f32
    %gt3A_22 = vector.broadcast %gt3A : f32 to vector<1000x128xf32>
    %gt3A_23 = arith.cmpf ogt, %add3A_21, %gt3A_22 : vector<1000x128xf32>
    %mul3A_24 = arith.constant 0.00999999977 : f32
    %mul3A_25 = vector.broadcast %mul3A_24 : f32 to vector<1000x128xf32>
    %mul3A_26 = arith.mulf %mul3A_25, %add3A_21 : vector<1000x128xf32>
    %select_n3A = arith.select %gt3A_23, %add3A_21, %mul3A_26 : vector<1000x128xi1>, vector<1000x128xf32>
    %get3A_27 = arith.constant 0 : index
    %get3A_28 = arith.constant 0 : index
    %get3A_29 = vector.load %arg5[%get3A_27, %get3A_28] : memref<128x128xf32, #tpu.memory_space<vmem>>, vector<128x128xf32>
    %dot_general3A = arith.constant dense<0.000000e+00> : vector<1000x128xf32>
    %dot_general3A_30 = tpu.matmul %select_n3A, %get3A_29, %dot_general3A {dimension_numbers = #tpu.dot_dimension_numbers<[1], [0], [0], [1], [0, 0, 1, 1], [], []>, transpose_lhs_hint = false} : vector<1000x128xf32>, vector<128x128xf32>, vector<1000x128xf32> -> vector<1000x128xf32>
    %mul3A_31 = vector.broadcast %get3A_1 : vector<1000x1xf32> to vector<1000x128xf32>
    %mul3A_32 = arith.mulf %mul3A_31, %dot_general3A_30 : vector<1000x128xf32>
    %swap3A = arith.constant 0 : index
    %swap3A_33 = arith.constant 0 : index
    %swap3A_34 = vector.load %arg6[%swap3A, %swap3A_33] : memref<1000x128xf32, #tpu.memory_space<vmem>>, vector<1000x128xf32>
    tpu.vector_store %arg6[%swap3A, %swap3A_33], %mul3A_32 {strides = array<i32>} : memref<1000x128xf32, #tpu.memory_space<vmem>>, vector<1000x128xf32>,
    return
  }
  func.func @transform_0(%arg0: i32) -> (i32, i32, i32) {
    %c0_i32 = arith.constant 0 : i32
    %c0_i32_0 = arith.constant 0 : i32
    %c0_i32_1 = arith.constant 0 : i32
    return %c0_i32, %arg0, %c0_i32_0 : i32, i32, i32
  }
  func.func @transform_1(%arg0: i32) -> (i32, i32) {
    %c0_i32 = arith.constant 0 : i32
    %c0_i32_0 = arith.constant 0 : i32
    return %arg0, %c0_i32 : i32, i32
  }
  func.func @transform_2(%arg0: i32) -> (i32, i32) {
    %c0_i32 = arith.constant 0 : i32
    %c0_i32_0 = arith.constant 0 : i32
    return %arg0, %c0_i32 : i32, i32
  }
  func.func @transform_3(%arg0: i32) -> (i32, i32) {
    %c0_i32 = arith.constant 0 : i32
    %c0_i32_0 = arith.constant 0 : i32
    %c0_i32_1 = arith.constant 0 : i32
    return %c0_i32, %c0_i32_0 : i32, i32
  }
  func.func @transform_4(%arg0: i32) -> (i32, i32) {
    %c0_i32 = arith.constant 0 : i32
    %c0_i32_0 = arith.constant 0 : i32
    %c0_i32_1 = arith.constant 0 : i32
    return %c0_i32, %c0_i32_0 : i32, i32
  }
  func.func @transform_5(%arg0: i32) -> (i32, i32) {
    %c0_i32 = arith.constant 0 : i32
    %c0_i32_0 = arith.constant 0 : i32
    return %arg0, %c0_i32 : i32, i32
  }
}

module attributes {stable_mosaic.version = 14 : i64} {
  func.func @_tc3_body(%arg0: i32, %arg1: memref<2x1000x128xf32, #tpu.memory_space<vmem>>, %arg2: memref<1000x128xf32, #tpu.memory_space<vmem>>, %arg3: memref<1000x8xf32, #tpu.memory_space<vmem>>, %arg4: memref<1x128xf32, #tpu.memory_space<vmem>>, %arg5: memref<1x128xf32, #tpu.memory_space<vmem>>) attributes {dimension_semantics = [#tpu.dimension_semantics<arbitrary>], iteration_bounds = array<i64: 10>, scalar_prefetch = 0 : i64, scratch_operands = 0 : i64, tpu.core_type = #tpu.core_type<tc>, window_params = [{transform_indices = @transform_0, window_bounds = array<i64: 2, 1000, 128>}, {transform_indices = @transform_1, window_bounds = array<i64: 1000, 128>}, {transform_indices = @transform_2, window_bounds = array<i64: 1000, 8>}, {pipeline_mode = #tpu.pipeline_mode<synchronous>, transform_indices = @transform_3, window_bounds = array<i64: 1, 128>}, {pipeline_mode = #tpu.pipeline_mode<synchronous>, transform_indices = @transform_4, window_bounds = array<i64: 1, 128>}]} {
    %get3A = arith.constant 0 : index
    %get3A_0 = arith.constant 0 : index
    %get3A_1 = vector.load %arg3[%get3A, %get3A_0] : memref<1000x8xf32, #tpu.memory_space<vmem>>, vector<1000x1xf32>
    %get3A_2 = arith.constant 0 : index
    %get3A_3 = arith.constant 0 : index
    %get3A_4 = arith.constant 0 : index
    %get3A_5 = vector.load %arg1[%get3A_2, %get3A_3, %get3A_4] : memref<2x1000x128xf32, #tpu.memory_space<vmem>>, vector<1x1000x128xf32>
    %get3A_6 = vector.shape_cast %get3A_5 : vector<1x1000x128xf32> to vector<1000x128xf32>
    %get3A_7 = arith.constant 1 : index
    %get3A_8 = arith.constant 0 : index
    %get3A_9 = arith.constant 0 : index
    %get3A_10 = vector.load %arg1[%get3A_7, %get3A_8, %get3A_9] : memref<2x1000x128xf32, #tpu.memory_space<vmem>>, vector<1x1000x128xf32>
    %get3A_11 = vector.shape_cast %get3A_10 : vector<1x1000x128xf32> to vector<1000x128xf32>
    %add3A = arith.addf %get3A_6, %get3A_11 : vector<1000x128xf32>
    %get3A_12 = arith.constant 0 : index
    %get3A_13 = arith.constant 0 : index
    %get3A_14 = vector.load %arg2[%get3A_12, %get3A_13] : memref<1000x128xf32, #tpu.memory_space<vmem>>, vector<1000x128xf32>
    %add3A_15 = arith.addf %add3A, %get3A_14 : vector<1000x128xf32>
    %mul3A = vector.broadcast %get3A_1 : vector<1000x1xf32> to vector<1000x128xf32>
    %mul3A_16 = arith.mulf %mul3A, %add3A_15 : vector<1000x128xf32>
    %get3A_17 = arith.constant 0 : index
    %get3A_18 = arith.constant 0 : index
    %get3A_19 = vector.load %arg4[%get3A_17, %get3A_18] : memref<1x128xf32, #tpu.memory_space<vmem>>, vector<1x128xf32>
    %add3A_20 = vector.broadcast %get3A_19 : vector<1x128xf32> to vector<1000x128xf32>
    %add3A_21 = arith.addf %mul3A_16, %add3A_20 : vector<1000x128xf32>
    %gt3A = arith.constant 0.000000e+00 : f32
    %gt3A_22 = vector.broadcast %gt3A : f32 to vector<1000x128xf32>
    %gt3A_23 = arith.cmpf ogt, %add3A_21, %gt3A_22 : vector<1000x128xf32>
    %mul3A_24 = arith.constant 0.00999999977 : f32
    %mul3A_25 = vector.broadcast %mul3A_24 : f32 to vector<1000x128xf32>
    %mul3A_26 = arith.mulf %mul3A_25, %add3A_21 : vector<1000x128xf32>
    %select_n3A = arith.select %gt3A_23, %add3A_21, %mul3A_26 : vector<1000x128xi1>, vector<1000x128xf32>
    %reduce_sum3A = arith.constant dense<0.000000e+00> : vector<128xf32>
    %reduce_sum3A_27 = vector.multi_reduction <add>, %select_n3A, %reduce_sum3A [0] : vector<1000x128xf32> to vector<128xf32>
    %broadcast_in_dim3A = vector.shape_cast %reduce_sum3A_27 : vector<128xf32> to vector<1x128xf32>
    %mul3A_28 = arith.constant 9.99999974E-5 : f32
    %mul3A_29 = vector.broadcast %mul3A_28 : f32 to vector<1x128xf32>
    %mul3A_30 = arith.mulf %broadcast_in_dim3A, %mul3A_29 : vector<1x128xf32>
    %eq3A = arith.constant 0 : i32
    %eq3A_31 = arith.cmpi eq, %arg0, %eq3A : i32
    %convert_element_type3A = arith.extui %eq3A_31 : i1 to i32
    %cond3A = arith.constant 0 : i32
    %cond3A_32 = arith.cmpi ne, %convert_element_type3A, %cond3A : i32
    scf.if %cond3A_32 {
      %swap3A = arith.constant 0 : index
      %swap3A_37 = arith.constant 0 : index
      %swap3A_38 = vector.load %arg5[%swap3A, %swap3A_37] : memref<1x128xf32, #tpu.memory_space<vmem>>, vector<1x128xf32>
      tpu.vector_store %arg5[%swap3A, %swap3A_37], %mul3A_30 {strides = array<i32>} : memref<1x128xf32, #tpu.memory_space<vmem>>, vector<1x128xf32>,
    } else {
    }
    %ne3A = arith.constant 0 : i32
    %ne3A_33 = arith.cmpi ne, %arg0, %ne3A : i32
    %convert_element_type3A_34 = arith.extui %ne3A_33 : i1 to i32
    %cond3A_35 = arith.constant 0 : i32
    %cond3A_36 = arith.cmpi ne, %convert_element_type3A_34, %cond3A_35 : i32
    scf.if %cond3A_36 {
      %get3A_37 = arith.constant 0 : index
      %get3A_38 = arith.constant 0 : index
      %get3A_39 = vector.load %arg5[%get3A_37, %get3A_38] : memref<1x128xf32, #tpu.memory_space<vmem>>, vector<1x128xf32>
      %add3A_40 = arith.addf %get3A_39, %mul3A_30 : vector<1x128xf32>
      %swap3A = arith.constant 0 : index
      %swap3A_41 = arith.constant 0 : index
      %swap3A_42 = vector.load %arg5[%swap3A, %swap3A_41] : memref<1x128xf32, #tpu.memory_space<vmem>>, vector<1x128xf32>
      tpu.vector_store %arg5[%swap3A, %swap3A_41], %add3A_40 {strides = array<i32>} : memref<1x128xf32, #tpu.memory_space<vmem>>, vector<1x128xf32>,
    } else {
    }
    return
  }
  func.func @transform_0(%arg0: i32) -> (i32, i32, i32) {
    %c0_i32 = arith.constant 0 : i32
    %c0_i32_0 = arith.constant 0 : i32
    %c0_i32_1 = arith.constant 0 : i32
    return %c0_i32, %arg0, %c0_i32_0 : i32, i32, i32
  }
  func.func @transform_1(%arg0: i32) -> (i32, i32) {
    %c0_i32 = arith.constant 0 : i32
    %c0_i32_0 = arith.constant 0 : i32
    return %arg0, %c0_i32 : i32, i32
  }
  func.func @transform_2(%arg0: i32) -> (i32, i32) {
    %c0_i32 = arith.constant 0 : i32
    %c0_i32_0 = arith.constant 0 : i32
    return %arg0, %c0_i32 : i32, i32
  }
  func.func @transform_3(%arg0: i32) -> (i32, i32) {
    %c0_i32 = arith.constant 0 : i32
    %c0_i32_0 = arith.constant 0 : i32
    %c0_i32_1 = arith.constant 0 : i32
    return %c0_i32, %c0_i32_0 : i32, i32
  }
  func.func @transform_4(%arg0: i32) -> (i32, i32) {
    %c0_i32 = arith.constant 0 : i32
    %c0_i32_0 = arith.constant 0 : i32
    %c0_i32_1 = arith.constant 0 : i32
    return %c0_i32, %c0_i32_0 : i32, i32
  }
}

</mosaic_0001>

<sc_bundles>
// kernel: kernel.11.cloned.1.call-start
scs
__scs_entry_jumppad:
0x0: {  	(pc) =	sbr.rel $0x88, $3  }
0x1: {  	(tag) =	ssettag $0x0;
	lr =	simm.s32 $0x1  }
0x2: {  	[smem:$0x3F97] =	sst lr;
	_ =	strace $0xD0000000  }
0x3: {  	_ = 	snop  }
0x4: {  	_ = 	snop  }
0x5: {  	_ = 	snop  }
0x6: {  	_ = 	snop  }
0x7: {  	_ = 	snop  }
__scs_overlays_trampoline_lowered:
0x8: {  	[smem:$0x3FA6] =	sst s0  }
0x9: {  	[smem:$0x3FA7] =	sst s1  }
0xa: {  	[smem:$0x3FA8] =	sst s2  }
0xb: {  	[smem:$0x3FA9] =	sst s3  }
0xc: {  	[smem:$0x3FAA] =	sst s4  }
0xd: {  	[smem:$0x3FAB] =	sst s5  }
0xe: {  	[smem:$0x3FAC] =	sst s6  }
0xf: {  	[smem:$0x3FAD] =	sst s7  }
0x10: {  	[smem:$0x3FAE] =	sst s8  }
0x11: {  	[smem:$0x3FAF] =	sst s9;
	s0 =	simm.s32 @!p0 $0x0  }
0x12: {  	s1 =	sld [smem:$0x3F95];
	s0 =	simm.s32 @p0 $0x1  }
0x13: {  	[smem:$0x3FB0] =	sst s0;
	s0 =	simm.s32 @!p1 $0x0  }
0x14: {  	s2 =	sld [smem:$0x3F94];
	s0 =	simm.s32 @p1 $0x1  }
0x15: {  	[smem:$0x3FB1] =	sst s0;
	s0 =	simm.s32 @!p2 $0x0  }
0x16: {  	s3 =	sld [smem:$0x3FDB];
	s0 =	simm.s32 @p2 $0x1  }
0x17: {  	s4 =	simm.s32 $0x1BF5;
	[smem:$0x3FB3] =	sst s0  }
0x18: {  	s0 =	sld [smem:$0x3F96];
	_ =	swait.ge [sflag:s4], $0x0  }
0x19: {  	s7 =	sld [smem:$0x3F97]  }
0x1a: {  	s8 =	sadd.s32 $0xFFFFE003, lr  }
0x1b: {  	s9 =	sadd.s32 $0xFFFFFEF7, lr;
	s5 =	simm.s32 $0xFFFFFFFF;
	p2 =	slt.u32 s8, $0xFFFFF086  }
0x1c: {  	p1 =	slt.u32 s9, $0xF7A;
	s5 =	simm.s32 @!p2 $0x0  }
0x1d: {  	s5 =	simm.s32 @p1 $0x1;
	p0 =	seq.s32 s7, s2  }
0x1e: {  	s7 =	smul.u32 @!p0 $0xF7A, s2;
	p2 =	seq.s32 @!p0 s5, $0x0  }
0x1f: {  	s9 =	smul.u32 $0xF7A, s1;
	s8 =	simm.s32 @!p0 $0x1BF5;
	p2 =	por !p2, p0  }
0x20: {  	[sflag:s8] =	ssyncset.s32 @!p0 $0xFFFFF086;
	s6 =	sadd.s32 @!p0 s3, s7;
	s7 =	simm.s32 @!p0 $0x108  }
0x21: {  	s3 =	sadd.s32 s3, s9;
	s6 =	sadd.s32 @!p0 $0x88, s6;
	s7 =	simm.s32 @p2 $0x1082  }
0x22: {  	[simem:s7], [sflag:s8] =	dma.local @!p0 [hbm:s6], $0xF7A  }
0x23: {  	s9 =	sor.u32 $0xD0000000, s2;
	s6 =	simm.s32 $0x108;
	_ =	swait.ge @!p0 [sflag:s8], $0x0  }
0x24: {  	s3 =	sadd.s32 $0x88, s3;
	s6 =	simm.s32 @!p1 $0x1082;
	[sflag:s4] =	ssyncset.s32 $0xFFFFF086  }
0x25: {  	[simem:s6], [sflag:s4] =	dma.local [hbm:s3], $0xF7A  }
0x26: {  	[smem:$0x3F97] =	sst s1;
	(tag) =	ssettag s2;
	_ =	strace s9  }
0x27: {  	s1 =	sld [smem:$0x3FA7]  }
0x28: {  	s2 =	sld [smem:$0x3FA8]  }
0x29: {  	s4 =	sld [smem:$0x3FAA]  }
0x2a: {  	p0 =	seq.s32 s5, $0x0;
	s5 =	sld [smem:$0x3FAB]  }
0x2b: {  	s6 =	sld [smem:$0x3FAC]  }
0x2c: {  	s7 =	sld [smem:$0x3FAD]  }
0x2d: {  	s3 =	simm.s32 $0x108;
	s8 =	sld [smem:$0x3FAE]  }
0x2e: {  	s3 =	simm.s32 @!p0 $0x1082;
	s9 =	sld [smem:$0x3FAF]  }
0x2f: {  	lr =	sadd.s32 s0, s3;
	s0 =	sld [smem:$0x3FA6]  }
0x30: {  	s3 =	sld [smem:$0x3FA9]  }
0x31: {  	[smem:$0x3FB2] =	sst s10  }
0x32: {  	s10 =	sld [smem:$0x3FB0];
	_ =	sdelay $0x3  }
0x33: {  	p0 =	seq.s32 s10, $0x1;
	s10 =	sld [smem:$0x3FB2];
	_ =	sdelay $0x3  }
0x34: {  	[smem:$0x3FB2] =	sst s10  }
0x35: {  	s10 =	sld [smem:$0x3FB1];
	_ =	sdelay $0x3  }
0x36: {  	p1 =	seq.s32 s10, $0x1;
	s10 =	sld [smem:$0x3FB2];
	_ =	sdelay $0x3  }
0x37: {  	[smem:$0x3FB2] =	sst s10  }
0x38: {  	s10 =	sld [smem:$0x3FB3]  }
0x39: {  	_ = 	snop;
	(pc) =	sbr.ind lr, $3  }
0x3a: {  	_ = 	snop  }
0x3b: {  	_ = 	snop  }
0x3c: {  	p2 =	seq.s32 s10, $0x1;
	s10 =	sld [smem:$0x3FB2]  }
0x3d: {  	_ =	shalt  }
0x3e: {  	_ =	shalt  }
0x3f: {  	_ =	shalt  }
0x40: {  	_ =	shalt  }
0x41: {  	_ =	shalt  }
0x42: {  	_ =	shalt  }
0x43: {  	_ =	shalt  }
0x44: {  	_ =	shalt  }
0x45: {  	_ =	shalt  }
0x46: {  	_ =	shalt  }
0x47: {  	_ =	shalt  }
0x48: {  	_ =	shalt  }
0x49: {  	_ =	shalt  }
0x4a: {  	_ =	shalt  }
0x4b: {  	_ =	shalt  }
0x4c: {  	_ =	shalt  }
0x4d: {  	_ =	shalt  }
0x4e: {  	_ =	shalt  }
0x4f: {  	_ =	shalt  }
0x50: {  	_ =	shalt  }
0x51: {  	_ =	shalt  }
0x52: {  	_ =	shalt  }
0x53: {  	_ =	shalt  }
0x54: {  	_ =	shalt  }
0x55: {  	_ =	shalt  }
0x56: {  	_ =	shalt  }
0x57: {  	_ =	shalt  }
0x58: {  	_ =	shalt  }
0x59: {  	_ =	shalt  }
0x5a: {  	_ =	shalt  }
0x5b: {  	_ =	shalt  }
0x5c: {  	_ =	shalt  }
0x5d: {  	_ =	shalt  }
0x5e: {  	_ =	shalt  }
0x5f: {  	_ =	shalt  }
0x60: {  	_ =	shalt  }
0x61: {  	_ =	shalt  }
0x62: {  	_ =	shalt  }
0x63: {  	_ =	shalt  }
0x64: {  	_ =	shalt  }
0x65: {  	_ =	shalt  }
0x66: {  	_ =	shalt  }
0x67: {  	_ =	shalt  }
0x68: {  	_ =	shalt  }
0x69: {  	_ =	shalt  }
0x6a: {  	_ =	shalt  }
0x6b: {  	_ =	shalt  }
0x6c: {  	_ =	shalt  }
0x6d: {  	_ =	shalt  }
0x6e: {  	_ =	shalt  }
0x6f: {  	_ =	shalt  }
0x70: {  	_ =	shalt  }
0x71: {  	_ =	shalt  }
0x72: {  	_ =	shalt  }
0x73: {  	_ =	shalt  }
0x74: {  	_ =	shalt  }
0x75: {  	_ =	shalt  }
0x76: {  	_ =	shalt  }
0x77: {  	_ =	shalt  }
0x78: {  	_ =	shalt  }
0x79: {  	_ =	shalt  }
0x7a: {  	_ =	shalt  }
0x7b: {  	_ =	shalt  }
0x7c: {  	_ =	shalt  }
0x7d: {  	_ =	shalt  }
0x7e: {  	_ =	shalt  }
0x7f: {  	_ =	shalt  }
0x80: {  	_ =	shalt  }
0x81: {  	_ =	shalt  }
0x82: {  	_ =	shalt  }
0x83: {  	_ =	shalt  }
0x84: {  	_ =	shalt  }
0x85: {  	_ =	shalt  }
0x86: {  	_ =	shalt  }
0x87: {  	_ =	shalt  }
.Lfunc_end0:
.L_simem_size_0:
called_computation.1_lowered:
.L_overlay_start_0:
0x88: {  	s2 =	sld [smem:$0x3FD9]  }
0x89: {  	s3 =	sld [smem:$0x3FFE];
	_ =	sdelay $0x1  }
0x8a: {  	s1 =	srdreg.scid  }
0x8b: {  	s0 =	sand.u32 $0x1, s1  }
0x8c: {  	s16 =	sshll.u32 s0, $0xA;
	s2 =	sadd.s32 s3, s2  }
0x8d: {  	s2 =	sadd.s32 s2, s16  }
0x8e: {  	[smem:$0x3FBE] =	sst s2  }
0x8f: {  	_ = 	snop  }
0x90: {  	(tm) =	ssettm $0x1  }
0x91: {  	s17 =	sld [smem:$0x3FFB];
	_ =	sdelay $0x3  }
0x92: {  	_ =	strace s17  }
0x93: {  	s2 =	sld [smem:$0x3FFC];
	_ =	sdelay $0x3  }
0x94: {  	_ =	strace s2  }
0x95: {  	s2 =	sld [smem:$0x3FFD];
	_ =	sdelay $0x3  }
0x96: {  	_ =	strace s2  }
0x97: {  	_ =	strace $0x8FFFFFFF  }
0x98: {  	s18 =	sld [smem:$0x3FDB];
	_ =	sdelay $0x1  }
0x99: {  	s19 =	simm.s32 $_scs_section_size  }
0x9a: {  	s4 =	simm.s32 $_size__tile_overlayer_lowered;
	s5 =	simm.s32 $_tile_overlayer_lowered  }
0x9b: {  	s22 =	simm.s32 $0x1BFF;
	s21 =	sshll.u32 s5, $0x1;
	s2 =	sadd.s32 s19, s18  }
0x9c: {  	s6 =	simm.s32 $0x0;
	s20 =	sshll.u32 s4, $0x1;
	s4 =	sadd.s32 s21, s2  }
0x9d: {  	[timem:s6], [sflag:s22] =	dma.local [hbm:s4], s20  }
0x9e: {  	_ =	swait.ge [sflag:s22], s20  }
0x9f: {  	s3 =	ssub.s32 $0x0, s20;
	[sflag:s22] =	ssyncset.done $0x0  }
0xa0: {  	[sflag:s22] =	ssyncadd.s32 s3;
	_ =	sdelay $0x1  }
0xa1: {  	s23 =	simm.s32 $0x1B8B  }
0xa2: {  	_ =	swait.ge [sflag:s23], $0x1  }
0xa3: {  	[sflag:s23] =	ssyncset.done $0x0  }
0xa4: {  	s25 =	simm.s32 $0x1B8E;
	s24 =	sld [smem:$0x3FFE];
	[sflag:s23] =	ssyncadd.s32 $0xFFFFFFFF  }
0xa5: {  	s26 =	simm.s32 $execute0_lowered;
	[smem:$0x3FD2] =	sst s25  }
0xa6: {  	s4 =	sshll.u32 s26, $0x1;
	_ =	strace $0x80000049;
	[dreg:$0x1] =	wrdreg $0xFFFFFFFF  }
0xa7: {  	s28 =	simm.s32 $_size_execute0_lowered;
	s2 =	sadd.s32 s2, s4;
	[dreg:$0x0] =	wrdreg $0x0  }
0xa8: {  	s4 =	sshll.u32 s28, $0x1;
	[dreg:$0x2] =	wrdreg s2  }
0xa9: {  	[dreg:$0x3] =	wrdreg s4  }
0xaa: {  	[dreg:$0x4] =	wrdreg $0xC0  }
0xab: {  	_ =	task [dreg:s6], $0x5FFFF  }
0xac: {  	[dreg:$0x1] =	wrdreg $0xFFFFFFFF  }
0xad: {  	[dreg:$0x0] =	wrdreg $0x60  }
0xae: {  	[dreg:$0x2] =	wrdreg s24  }
0xaf: {  	[dreg:$0x3] =	wrdreg $0x0  }
0xb0: {  	[dreg:$0x4] =	wrdreg $0x9  }
0xb1: {  	_ =	task.clear_ibuf [dreg:s6], $0x5FFFF;
	_ =	strace $0x90000049  }
0xb2: {  	s29 =	simm.s32 $0x9;
	_ =	strace $0x8000004B  }
0xb3: {  	_ =	swait.ge [sflag:s29], $0x1  }
0xb4: {  	[sflag:s29] =	ssyncadd.s32 $0xFFFFFFFF  }
0xb5: {  	_ =	strace $0x9000004B  }
0xb6: {  	_ =	sfence  }
0xb7: {  	s30 =	sld [smem:$0x0];
	_ =	sdelay $0x2  }
0xb8: {  	s31 =	sshll.u32 s1, $0xD;
	s1 =	sshrl.u32 s1, $0x2  }
0xb9: {  	s3 =	sand.u32 $0x4000, s31;
	s1 =	sadd.s32 s1, s30  }
0xba: {  	s0 =	sor.u32 s3, s0;
	s1 =	sshll.u32 s1, $0x11  }
0xbb: {  	s0 =	sor.u32 s1, s0  }
0xbc: {  	s0 =	sadd.s32 $0x8F2B, s0  }
0xbd: {  	[sflag:s0] =	ssyncadd.remote.s32 $0x1  }
0xbe: {  	_ =	sfence.sel $0xFFFF  }
0xbf: {  	[dreg:$0x0] =	wrdreg $0xFFFFFFFF;
	(pc) =	sbr.abs _section_cstart, $3  }
0xc0: {  	[dreg:$0x1] =	wrdreg $0xFFFFFFFF  }
0xc1: {  	_ =	task.clear_ibuf [dreg:s6], $0x2FFFF;
	_ =	strace $0x9FFFFFFF  }
0xc2: {  	(tm) =	ssettm $0x7FFFFFFF  }
0xc3: {  	_ =	shalt  }
tec
execute0_lowered:
.L_overlay_start_1:
0x0: {  	(tag) =	ssettag $0x1  }
0x1: {  	s6 =	rddreg [dreg:$0x0]  }
0x2: {  	s1 =	rddreg [dreg:$0x1]  }
0x3: {  	s2 =	srdreg.scid;
	s0 =	rddreg [dreg:$0x2];
	s3 =	simm.s32 $0x0  }
0x4: {  	s17 =	simm.s32 $0x14200;
	s18 =	simm.s32 $0x14100;
	s19 =	simm.s32 $0x16A00  }
0x5: {  	s20 =	simm.s32 $0x1;
	s21 =	simm.s32 $0x14080;
	s22 =	simm.s32 $0x2  }
0x6: {  	s23 =	simm.s32 $0x14180;
	s7 =	sand.u32 $0x1, s2;
	s2 =	stileid.u32  }
0x7: {  	s24 =	simm.s32 $0x3;
	[smem:$0x7FF] =	sst s3;
	s5 =	smul.u32 $0x140000, s7  }
0x8: {  	s4 =	sadd.s32 $0x25600, s6;
	s12 =	sadd.s32 $0x2800, s6;
	s8 =	smul.u32 $0x14000, s2  }
0x9: {  	_ =	strace $0x8000004A;
	s9 =	ssub.s32 $0x2, s7;
	s10 =	smul.u32 $0x50000, s2  }
0xa: {  	s11 =	sshll.u32 s2, $0x10;
	s7 =	sshll.u32 s7, $0xF;
	s28 =	sshll.u32 s2, $0x6  }
0xb: {  	s25 =	sshrl.u32 s9, $0x1;
	s11 =	sor.u32 s7, s11;
	s8 =	sadd.s32 s8, s5  }
0xc: {  	s5 =	sadd.s32 $0x22E00, s6;
	s14 =	ssub.s32 s9, s25;
	s26 =	sshrl.u32 s10, $0x2  }
0xd: {  	s7 =	sshrl.u32 s11, $0x3;
	s29 =	sor.u32 $0x300, s11;
	s16 =	sor.u32 $0x200, s11  }
0xe: {  	s25 =	simm.s32 $0x4;
	s8 =	sshrl.u32 s8, $0x3;
	s15 =	sadd.s32 s26, s1  }
0xf: {  	s30 =	sshrl.u32 s29, $0x3;
	s10 =	smax.u32 s14, $0x1;
	s31 =	sshrl.u32 s16, $0x3  }
0x10: {  	s14 =	simm.s32 $0x5;
	s16 =	simm.s32 $0x50;
	s26 =	simm.s32 $0x0  }
0x11: {  	s13 =	sadd.s32 s8, s6;
	s6 =	sadd.s32 s12, s7;
	s7 =	sor.u32 $0x1C05, s28  }
0x12: {  	s11 =	sadd.s32 s30, s12;
	s12 =	sadd.s32 s31, s12;
	s8 =	sadd.s32 $0x20, s6  }
0x13: {  	s9 =	sadd.s32 $0x4C800, s13;
	s13 =	sshrl.u32 s15, $0x3;
	s15 =	simm.s32 $0x14000  }
.LBB2_1:
0x14: {  	[spmem:s13], [sflag:s7] =	dma.local [hbm:s5], $0x2800  }
0x15: {  	_ =	swait.ge [sflag:s14], $0x2800  }
0x16: {  	[sflag:s14] =	ssyncset.done $0x0  }
0x17: {  	[sflag:s14] =	ssyncadd.s32 $0xFFFFD800  }
0x18: {  	[bflag:$0x0] =	sbarrier.arrive $0xFFFF  }
0x19: {  	[tilespmem:s15], [sflag:$0x5] =	stream.linear.gather [hbm4b:s6+s3], $0x100, $0x38;
	[tilespmem:$0x19200] =	vst v63  }
0x1a: {  	_ =	swait.ge [sflag:s14], $0x100  }
0x1b: {  	[sflag:s14] =	ssyncset.done $0x0  }
0x1c: {  	[sflag:s14] =	ssyncadd.s32 $0xFFFFFF00  }
0x1d: {  	[tilespmem:s17], [sflag:$0x1] =	stream.indirect.gather [hbm4b:s4+s16], $0x80, s15, s16, $0xb8;
	[tilespmem:$0x19200] =	vst v63  }
0x1e: {  	_ = 	snop  }
0x1f: {  	[tilespmem:s18], [sflag:$0x5] =	stream.linear.gather [hbm4b:s8+s3], $0x100, $0x38;
	[tilespmem:$0x19200] =	vst v63  }
0x20: {  	_ =	swait.ge [sflag:s14], $0x100  }
0x21: {  	[sflag:s14] =	ssyncset.done $0x0  }
0x22: {  	[sflag:s14] =	ssyncadd.s32 $0xFFFFFF00  }
0x23: {  	[tilespmem:s19], [sflag:$0x2] =	stream.indirect.gather [hbm4b:s4+s16], $0x80, s18, s16, $0xb8;
	[tilespmem:$0x19200] =	vst v63  }
0x24: {  	_ =	swait.ge [sflag:s20], $0x2800  }
0x25: {  	[sflag:s20] =	ssyncset.done $0x0  }
0x26: {  	[sflag:s20] =	ssyncadd.s32 $0xFFFFD800  }
0x27: {  	[spmem:s1] =	stream.indirect.scatter.add.f32 [tilespmem:s17], [sflag:$0x5], $0x80, s21, s16, $0xb8;
	[tilespmem:$0x19200] =	vst v63  }
0x28: {  	_ =	swait.ge [sflag:s14], $0x2800  }
0x29: {  	[sflag:s14] =	ssyncset.done $0x0  }
0x2a: {  	s28 =	sadd.s32 $0x0, s12;
	[sflag:s14] =	ssyncadd.s32 $0xFFFFD800  }
0x2b: {  	[tilespmem:s15], [sflag:$0x3] =	stream.linear.gather [hbm4b:s28+s3], $0x100, $0x38;
	[tilespmem:$0x19200] =	vst v63  }
0x2c: {  	_ =	swait.ge [sflag:s22], $0x2800  }
0x2d: {  	[sflag:s22] =	ssyncset.done $0x0  }
0x2e: {  	[sflag:s22] =	ssyncadd.s32 $0xFFFFD800  }
0x2f: {  	[spmem:s1] =	stream.indirect.scatter.add.f32 [tilespmem:s19], [sflag:$0x5], $0x80, s23, s16, $0xb8;
	[tilespmem:$0x19200] =	vst v63  }
0x30: {  	_ =	swait.ge [sflag:s14], $0x2800  }
0x31: {  	[sflag:s14] =	ssyncset.done $0x0  }
0x32: {  	s28 =	sadd.s32 $0x0, s11;
	[sflag:s14] =	ssyncadd.s32 $0xFFFFD800  }
0x33: {  	[tilespmem:s18], [sflag:$0x4] =	stream.linear.gather [hbm4b:s28+s3], $0x100, $0x38;
	[tilespmem:$0x19200] =	vst v63  }
0x34: {  	_ =	swait.ge [sflag:s24], $0x100  }
0x35: {  	[sflag:s24] =	ssyncset.done $0x0  }
0x36: {  	[sflag:s24] =	ssyncadd.s32 $0xFFFFFF00  }
0x37: {  	[tilespmem:s17], [sflag:$0x1] =	stream.indirect.gather [hbm4b:s4+s16], $0x80, s15, s16, $0xb8;
	[tilespmem:$0x19200] =	vst v63  }
0x38: {  	_ =	swait.ge [sflag:s25], $0x100  }
0x39: {  	s28 =	simm.s32 $0x40;
	[sflag:s25] =	ssyncset.done $0x0  }
.LBB2_2:
0x3a: {  	p0 =	sne.s32 s28, $0xF40  }
0x3b: {  	[sflag:s25] =	ssyncadd.s32 $0xFFFFFF00;
	s29 =	smov.u32 s28;
	s28 =	sadd.s32 $0x40, s28  }
0x3c: {  	[tilespmem:s19], [sflag:$0x2] =	stream.indirect.gather [hbm4b:s4+s16], $0x80, s18, s16, $0xb8;
	[tilespmem:$0x19200] =	vst v63  }
0x3d: {  	_ =	swait.ge [sflag:s20], $0x2800  }
0x3e: {  	[sflag:s20] =	ssyncset.done $0x0  }
0x3f: {  	[sflag:s20] =	ssyncadd.s32 $0xFFFFD800  }
0x40: {  	[spmem:s1] =	stream.indirect.scatter.add.f32 [tilespmem:s17], [sflag:$0x5], $0x80, s21, s16, $0xb8;
	[tilespmem:$0x19200] =	vst v63  }
0x41: {  	_ =	swait.ge [sflag:s14], $0x2800  }
0x42: {  	[sflag:s14] =	ssyncset.done $0x0  }
0x43: {  	s30 =	sadd.s32 s29, s12;
	[sflag:s14] =	ssyncadd.s32 $0xFFFFD800  }
0x44: {  	[tilespmem:s15], [sflag:$0x3] =	stream.linear.gather [hbm4b:s30+s3], $0x100, $0x38;
	[tilespmem:$0x19200] =	vst v63  }
0x45: {  	_ =	swait.ge [sflag:s22], $0x2800  }
0x46: {  	[sflag:s22] =	ssyncset.done $0x0  }
0x47: {  	[sflag:s22] =	ssyncadd.s32 $0xFFFFD800  }
0x48: {  	[spmem:s1] =	stream.indirect.scatter.add.f32 [tilespmem:s19], [sflag:$0x5], $0x80, s23, s16, $0xb8;
	[tilespmem:$0x19200] =	vst v63  }
0x49: {  	_ =	swait.ge [sflag:s14], $0x2800  }
0x4a: {  	[sflag:s14] =	ssyncset.done $0x0  }
0x4b: {  	s29 =	sadd.s32 s29, s11;
	[sflag:s14] =	ssyncadd.s32 $0xFFFFD800  }
0x4c: {  	[tilespmem:s18], [sflag:$0x4] =	stream.linear.gather [hbm4b:s29+s3], $0x100, $0x38;
	[tilespmem:$0x19200] =	vst v63  }
0x4d: {  	_ =	swait.ge [sflag:s24], $0x100  }
.Ltmp0:
0x4e: {  	[sflag:s24] =	ssyncset.done $0x0;
	(pc) =	sbr.rel @p0 .LBB2_2-.Ltmp0, $4  }
0x4f: {  	[sflag:s24] =	ssyncadd.s32 $0xFFFFFF00  }
0x50: {  	[tilespmem:s17], [sflag:$0x1] =	stream.indirect.gather [hbm4b:s4+s16], $0x80, s15, s16, $0xb8;
	[tilespmem:$0x19200] =	vst v63  }
0x51: {  	_ =	swait.ge [sflag:s25], $0x100  }
0x52: {  	[sflag:s25] =	ssyncset.done $0x0  }
0x53: {  	[sflag:s25] =	ssyncadd.s32 $0xFFFFFF00  }
0x54: {  	_ =	swait.ge [sflag:s20], $0x2800  }
0x55: {  	[sflag:s20] =	ssyncset.done $0x0  }
0x56: {  	[sflag:s20] =	ssyncadd.s32 $0xFFFFD800  }
0x57: {  	[spmem:s1] =	stream.indirect.scatter.add.f32 [tilespmem:s17], [sflag:$0x5], $0x80, s21, s16, $0xb8;
	[tilespmem:$0x19200] =	vst v63  }
0x58: {  	_ =	swait.ge [sflag:s14], $0x2800  }
0x59: {  	s26 =	sadd.s32 $0x1, s26;
	[sflag:s14] =	ssyncset.done $0x0  }
0x5a: {  	p0 =	sne.s32 s26, s10;
	[sflag:s14] =	ssyncadd.s32 $0xFFFFD800  }
.Ltmp1:
0x5b: {  	[bflag:$0x0] =	sbarrier.arrive $0xFFFF;
	(pc) =	sbr.rel @p0 .LBB2_1-.Ltmp1, $4  }
0x5c: {  	[hbm:s9], [sflag:s7] =	dma.local [spmem:s13], $0x2800  }
0x5d: {  	_ =	swait.ge [sflag:s14], $0x2800  }
0x5e: {  	[sflag:s14] =	ssyncset.done $0x0  }
0x5f: {  	[sflag:s14] =	ssyncadd.s32 $0xFFFFD800  }
0x60: {  	_ =	sfence.sel $0x180000  }
0x61: {  	[bflag:$0x0] =	sbarrier.arrive $0xFFFF  }
0x62: {  	p0 =	sne.s32 s2, $0x0;
	_ =	strace $0x9000004A  }
0x63: {  	s0 =	sadd.s32 @!p0 $0x100000, s0;
	[bflag:$0x2] =	sbarrier.arrive $0xFFFF  }
0x64: {  	[sflag:s0] =	ssyncadd.tile.s32 @!p0 $0x1;
	_ =	shalt  }
.Lfunc_end2:
_tile_overlayer_lowered:
.L_overlay_start_2:
0x65: {  	(tag) =	ssettag $0x2  }
0x66: {  	s0 =	rddreg [dreg:$0x0];
	s2 =	stileid.u32  }
0x67: {  	s1 =	rddreg [dreg:$0x1];
	p0 =	sne.s32 s2, $0x0  }
0x68: {  	s3 =	rddreg [dreg:$0x2];
	[bflag:$0x3] =	sbarrier.arrive $0xFFFF;
	s2 =	simm.s32 @!p0 $0x1C05  }
0x69: {  	[timem:s3], [sflag:s2] =	dma.local @!p0 [hbm:s0], s1  }
0x6a: {  	s0 =	simm.s32 @!p0 $0x5  }
0x6b: {  	_ =	swait.ge @!p0 [sflag:s0], s1  }
0x6c: {  	s1 =	ssub.s32 @!p0 $0x0, s1;
	[sflag:s0] =	ssyncset.done @!p0 $0x0  }
0x6d: {  	[sflag:s0] =	ssyncadd.s32 @!p0 s1  }
0x6e: {  	[bflag:$0x3] =	sbarrier.arrive $0xFFFF  }
0x6f: {  	_ =	shalt  }

// kernel: kernel.14.cloned.1.call-start
scs
__scs_entry_jumppad:
0x0: {  	(pc) =	sbr.rel $0x88, $3  }
0x1: {  	(tag) =	ssettag $0x0;
	lr =	simm.s32 $0x1  }
0x2: {  	[smem:$0x3F97] =	sst lr;
	_ =	strace $0xD0000000  }
0x3: {  	_ = 	snop  }
0x4: {  	_ = 	snop  }
0x5: {  	_ = 	snop  }
0x6: {  	_ = 	snop  }
0x7: {  	_ = 	snop  }
__scs_overlays_trampoline_lowered:
0x8: {  	[smem:$0x3FA6] =	sst s0  }
0x9: {  	[smem:$0x3FA7] =	sst s1  }
0xa: {  	[smem:$0x3FA8] =	sst s2  }
0xb: {  	[smem:$0x3FA9] =	sst s3  }
0xc: {  	[smem:$0x3FAA] =	sst s4  }
0xd: {  	[smem:$0x3FAB] =	sst s5  }
0xe: {  	[smem:$0x3FAC] =	sst s6  }
0xf: {  	[smem:$0x3FAD] =	sst s7  }
0x10: {  	[smem:$0x3FAE] =	sst s8  }
0x11: {  	[smem:$0x3FAF] =	sst s9;
	s0 =	simm.s32 @!p0 $0x0  }
0x12: {  	s1 =	sld [smem:$0x3F95];
	s0 =	simm.s32 @p0 $0x1  }
0x13: {  	[smem:$0x3FB0] =	sst s0;
	s0 =	simm.s32 @!p1 $0x0  }
0x14: {  	s2 =	sld [smem:$0x3F94];
	s0 =	simm.s32 @p1 $0x1  }
0x15: {  	[smem:$0x3FB1] =	sst s0;
	s0 =	simm.s32 @!p2 $0x0  }
0x16: {  	s3 =	sld [smem:$0x3FDB];
	s0 =	simm.s32 @p2 $0x1  }
0x17: {  	s4 =	simm.s32 $0x1BF5;
	[smem:$0x3FB3] =	sst s0  }
0x18: {  	s0 =	sld [smem:$0x3F96];
	_ =	swait.ge [sflag:s4], $0x0  }
0x19: {  	s7 =	sld [smem:$0x3F97]  }
0x1a: {  	s8 =	sadd.s32 $0xFFFFE003, lr  }
0x1b: {  	s9 =	sadd.s32 $0xFFFFFEF7, lr;
	s5 =	simm.s32 $0xFFFFFFFF;
	p2 =	slt.u32 s8, $0xFFFFF086  }
0x1c: {  	p1 =	slt.u32 s9, $0xF7A;
	s5 =	simm.s32 @!p2 $0x0  }
0x1d: {  	s5 =	simm.s32 @p1 $0x1;
	p0 =	seq.s32 s7, s2  }
0x1e: {  	s7 =	smul.u32 @!p0 $0xF7A, s2;
	p2 =	seq.s32 @!p0 s5, $0x0  }
0x1f: {  	s9 =	smul.u32 $0xF7A, s1;
	s8 =	simm.s32 @!p0 $0x1BF5;
	p2 =	por !p2, p0  }
0x20: {  	[sflag:s8] =	ssyncset.s32 @!p0 $0xFFFFF086;
	s6 =	sadd.s32 @!p0 s3, s7;
	s7 =	simm.s32 @!p0 $0x108  }
0x21: {  	s3 =	sadd.s32 s3, s9;
	s6 =	sadd.s32 @!p0 $0x88, s6;
	s7 =	simm.s32 @p2 $0x1082  }
0x22: {  	[simem:s7], [sflag:s8] =	dma.local @!p0 [hbm:s6], $0xF7A  }
0x23: {  	s9 =	sor.u32 $0xD0000000, s2;
	s6 =	simm.s32 $0x108;
	_ =	swait.ge @!p0 [sflag:s8], $0x0  }
0x24: {  	s3 =	sadd.s32 $0x88, s3;
	s6 =	simm.s32 @!p1 $0x1082;
	[sflag:s4] =	ssyncset.s32 $0xFFFFF086  }
0x25: {  	[simem:s6], [sflag:s4] =	dma.local [hbm:s3], $0xF7A  }
0x26: {  	[smem:$0x3F97] =	sst s1;
	(tag) =	ssettag s2;
	_ =	strace s9  }
0x27: {  	s1 =	sld [smem:$0x3FA7]  }
0x28: {  	s2 =	sld [smem:$0x3FA8]  }
0x29: {  	s4 =	sld [smem:$0x3FAA]  }
0x2a: {  	p0 =	seq.s32 s5, $0x0;
	s5 =	sld [smem:$0x3FAB]  }
0x2b: {  	s6 =	sld [smem:$0x3FAC]  }
0x2c: {  	s7 =	sld [smem:$0x3FAD]  }
0x2d: {  	s3 =	simm.s32 $0x108;
	s8 =	sld [smem:$0x3FAE]  }
0x2e: {  	s3 =	simm.s32 @!p0 $0x1082;
	s9 =	sld [smem:$0x3FAF]  }
0x2f: {  	lr =	sadd.s32 s0, s3;
	s0 =	sld [smem:$0x3FA6]  }
0x30: {  	s3 =	sld [smem:$0x3FA9]  }
0x31: {  	[smem:$0x3FB2] =	sst s10  }
0x32: {  	s10 =	sld [smem:$0x3FB0];
	_ =	sdelay $0x3  }
0x33: {  	p0 =	seq.s32 s10, $0x1;
	s10 =	sld [smem:$0x3FB2];
	_ =	sdelay $0x3  }
0x34: {  	[smem:$0x3FB2] =	sst s10  }
0x35: {  	s10 =	sld [smem:$0x3FB1];
	_ =	sdelay $0x3  }
0x36: {  	p1 =	seq.s32 s10, $0x1;
	s10 =	sld [smem:$0x3FB2];
	_ =	sdelay $0x3  }
0x37: {  	[smem:$0x3FB2] =	sst s10  }
0x38: {  	s10 =	sld [smem:$0x3FB3]  }
0x39: {  	_ = 	snop;
	(pc) =	sbr.ind lr, $3  }
0x3a: {  	_ = 	snop  }
0x3b: {  	_ = 	snop  }
0x3c: {  	p2 =	seq.s32 s10, $0x1;
	s10 =	sld [smem:$0x3FB2]  }
0x3d: {  	_ =	shalt  }
0x3e: {  	_ =	shalt  }
0x3f: {  	_ =	shalt  }
0x40: {  	_ =	shalt  }
0x41: {  	_ =	shalt  }
0x42: {  	_ =	shalt  }
0x43: {  	_ =	shalt  }
0x44: {  	_ =	shalt  }
0x45: {  	_ =	shalt  }
0x46: {  	_ =	shalt  }
0x47: {  	_ =	shalt  }
0x48: {  	_ =	shalt  }
0x49: {  	_ =	shalt  }
0x4a: {  	_ =	shalt  }
0x4b: {  	_ =	shalt  }
0x4c: {  	_ =	shalt  }
0x4d: {  	_ =	shalt  }
0x4e: {  	_ =	shalt  }
0x4f: {  	_ =	shalt  }
0x50: {  	_ =	shalt  }
0x51: {  	_ =	shalt  }
0x52: {  	_ =	shalt  }
0x53: {  	_ =	shalt  }
0x54: {  	_ =	shalt  }
0x55: {  	_ =	shalt  }
0x56: {  	_ =	shalt  }
0x57: {  	_ =	shalt  }
0x58: {  	_ =	shalt  }
0x59: {  	_ =	shalt  }
0x5a: {  	_ =	shalt  }
0x5b: {  	_ =	shalt  }
0x5c: {  	_ =	shalt  }
0x5d: {  	_ =	shalt  }
0x5e: {  	_ =	shalt  }
0x5f: {  	_ =	shalt  }
0x60: {  	_ =	shalt  }
0x61: {  	_ =	shalt  }
0x62: {  	_ =	shalt  }
0x63: {  	_ =	shalt  }
0x64: {  	_ =	shalt  }
0x65: {  	_ =	shalt  }
0x66: {  	_ =	shalt  }
0x67: {  	_ =	shalt  }
0x68: {  	_ =	shalt  }
0x69: {  	_ =	shalt  }
0x6a: {  	_ =	shalt  }
0x6b: {  	_ =	shalt  }
0x6c: {  	_ =	shalt  }
0x6d: {  	_ =	shalt  }
0x6e: {  	_ =	shalt  }
0x6f: {  	_ =	shalt  }
0x70: {  	_ =	shalt  }
0x71: {  	_ =	shalt  }
0x72: {  	_ =	shalt  }
0x73: {  	_ =	shalt  }
0x74: {  	_ =	shalt  }
0x75: {  	_ =	shalt  }
0x76: {  	_ =	shalt  }
0x77: {  	_ =	shalt  }
0x78: {  	_ =	shalt  }
0x79: {  	_ =	shalt  }
0x7a: {  	_ =	shalt  }
0x7b: {  	_ =	shalt  }
0x7c: {  	_ =	shalt  }
0x7d: {  	_ =	shalt  }
0x7e: {  	_ =	shalt  }
0x7f: {  	_ =	shalt  }
0x80: {  	_ =	shalt  }
0x81: {  	_ =	shalt  }
0x82: {  	_ =	shalt  }
0x83: {  	_ =	shalt  }
0x84: {  	_ =	shalt  }
0x85: {  	_ =	shalt  }
0x86: {  	_ =	shalt  }
0x87: {  	_ =	shalt  }
.Lfunc_end0:
.L_simem_size_0:
called_computation.2_lowered:
.L_overlay_start_0:
0x88: {  	s2 =	sld [smem:$0x3FD9]  }
0x89: {  	s3 =	sld [smem:$0x3FFE];
	_ =	sdelay $0x1  }
0x8a: {  	s1 =	srdreg.scid  }
0x8b: {  	s0 =	sand.u32 $0x1, s1  }
0x8c: {  	s16 =	sshll.u32 s0, $0xA;
	s2 =	sadd.s32 s3, s2  }
0x8d: {  	s2 =	sadd.s32 s2, s16  }
0x8e: {  	[smem:$0x3FBE] =	sst s2  }
0x8f: {  	_ = 	snop  }
0x90: {  	(tm) =	ssettm $0x1  }
0x91: {  	s17 =	sld [smem:$0x3FFB];
	_ =	sdelay $0x3  }
0x92: {  	_ =	strace s17  }
0x93: {  	s2 =	sld [smem:$0x3FFC];
	_ =	sdelay $0x3  }
0x94: {  	_ =	strace s2  }
0x95: {  	s2 =	sld [smem:$0x3FFD];
	_ =	sdelay $0x3  }
0x96: {  	_ =	strace s2  }
0x97: {  	_ =	strace $0x8FFFFFFF  }
0x98: {  	s18 =	sld [smem:$0x3FDB];
	_ =	sdelay $0x1  }
0x99: {  	s19 =	simm.s32 $_scs_section_size  }
0x9a: {  	s4 =	simm.s32 $_size__tile_overlayer_lowered;
	s5 =	simm.s32 $_tile_overlayer_lowered  }
0x9b: {  	s22 =	simm.s32 $0x1BFF;
	s21 =	sshll.u32 s5, $0x1;
	s2 =	sadd.s32 s19, s18  }
0x9c: {  	s6 =	simm.s32 $0x0;
	s20 =	sshll.u32 s4, $0x1;
	s4 =	sadd.s32 s21, s2  }
0x9d: {  	[timem:s6], [sflag:s22] =	dma.local [hbm:s4], s20  }
0x9e: {  	_ =	swait.ge [sflag:s22], s20  }
0x9f: {  	s3 =	ssub.s32 $0x0, s20;
	[sflag:s22] =	ssyncset.done $0x0  }
0xa0: {  	[sflag:s22] =	ssyncadd.s32 s3;
	_ =	sdelay $0x1  }
0xa1: {  	s23 =	simm.s32 $0x1B8B  }
0xa2: {  	_ =	swait.ge [sflag:s23], $0x1  }
0xa3: {  	[sflag:s23] =	ssyncset.done $0x0  }
0xa4: {  	s25 =	simm.s32 $0x1B8E;
	s24 =	sld [smem:$0x3FFE];
	[sflag:s23] =	ssyncadd.s32 $0xFFFFFFFF  }
0xa5: {  	s26 =	simm.s32 $execute0_lowered;
	[smem:$0x3FD2] =	sst s25  }
0xa6: {  	s4 =	sshll.u32 s26, $0x1;
	_ =	strace $0x8000004C;
	[dreg:$0x1] =	wrdreg $0xFFFFFFFF  }
0xa7: {  	s28 =	simm.s32 $_size_execute0_lowered;
	s2 =	sadd.s32 s2, s4;
	[dreg:$0x0] =	wrdreg $0x0  }
0xa8: {  	s4 =	sshll.u32 s28, $0x1;
	[dreg:$0x2] =	wrdreg s2  }
0xa9: {  	[dreg:$0x3] =	wrdreg s4  }
0xaa: {  	[dreg:$0x4] =	wrdreg $0xC0  }
0xab: {  	_ =	task [dreg:s6], $0x5FFFF  }
0xac: {  	[dreg:$0x1] =	wrdreg $0xFFFFFFFF  }
0xad: {  	[dreg:$0x0] =	wrdreg $0x60  }
0xae: {  	[dreg:$0x2] =	wrdreg s24  }
0xaf: {  	[dreg:$0x3] =	wrdreg $0x0  }
0xb0: {  	[dreg:$0x4] =	wrdreg $0x9  }
0xb1: {  	_ =	task.clear_ibuf [dreg:s6], $0x5FFFF;
	_ =	strace $0x9000004C  }
0xb2: {  	s29 =	simm.s32 $0x9;
	_ =	strace $0x8000004E  }
0xb3: {  	_ =	swait.ge [sflag:s29], $0x1  }
0xb4: {  	[sflag:s29] =	ssyncadd.s32 $0xFFFFFFFF  }
0xb5: {  	_ =	strace $0x9000004E  }
0xb6: {  	_ =	sfence  }
0xb7: {  	s30 =	sld [smem:$0x0];
	_ =	sdelay $0x2  }
0xb8: {  	s31 =	sshll.u32 s1, $0xD;
	s1 =	sshrl.u32 s1, $0x2  }
0xb9: {  	s3 =	sand.u32 $0x4000, s31;
	s1 =	sadd.s32 s1, s30  }
0xba: {  	s0 =	sor.u32 s3, s0;
	s1 =	sshll.u32 s1, $0x11  }
0xbb: {  	s0 =	sor.u32 s1, s0  }
0xbc: {  	s0 =	sadd.s32 $0x8F2B, s0  }
0xbd: {  	[sflag:s0] =	ssyncadd.remote.s32 $0x1  }
0xbe: {  	_ =	sfence.sel $0xFFFF  }
0xbf: {  	[dreg:$0x0] =	wrdreg $0xFFFFFFFF;
	(pc) =	sbr.abs _section_cstart, $3  }
0xc0: {  	[dreg:$0x1] =	wrdreg $0xFFFFFFFF  }
0xc1: {  	_ =	task.clear_ibuf [dreg:s6], $0x2FFFF;
	_ =	strace $0x9FFFFFFF  }
0xc2: {  	(tm) =	ssettm $0x7FFFFFFF  }
0xc3: {  	_ =	shalt  }
tec
execute0_lowered:
.L_overlay_start_1:
0x0: {  	(tag) =	ssettag $0x1  }
0x1: {  	s6 =	rddreg [dreg:$0x0]  }
0x2: {  	s1 =	rddreg [dreg:$0x1]  }
0x3: {  	s2 =	srdreg.scid;
	s0 =	rddreg [dreg:$0x2];
	s3 =	simm.s32 $0x0  }
0x4: {  	s17 =	simm.s32 $0x14200;
	s18 =	simm.s32 $0x14100;
	s19 =	simm.s32 $0x16A00  }
0x5: {  	s20 =	simm.s32 $0x1;
	s21 =	simm.s32 $0x14080;
	s22 =	simm.s32 $0x2  }
0x6: {  	s23 =	simm.s32 $0x14180;
	s7 =	sand.u32 $0x1, s2;
	s2 =	stileid.u32  }
0x7: {  	s24 =	simm.s32 $0x3;
	[smem:$0x7FF] =	sst s3;
	s5 =	smul.u32 $0x140000, s7  }
0x8: {  	s4 =	sadd.s32 $0x25600, s6;
	s12 =	sadd.s32 $0x2800, s6;
	s8 =	smul.u32 $0x14000, s2  }
0x9: {  	_ =	strace $0x8000004D;
	s9 =	ssub.s32 $0x2, s7;
	s10 =	smul.u32 $0x50000, s2  }
0xa: {  	s11 =	sshll.u32 s2, $0x10;
	s7 =	sshll.u32 s7, $0xF;
	s28 =	sshll.u32 s2, $0x6  }
0xb: {  	s25 =	sshrl.u32 s9, $0x1;
	s11 =	sor.u32 s7, s11;
	s8 =	sadd.s32 s8, s5  }
0xc: {  	s5 =	sadd.s32 $0x22E00, s6;
	s14 =	ssub.s32 s9, s25;
	s26 =	sshrl.u32 s10, $0x2  }
0xd: {  	s7 =	sshrl.u32 s11, $0x3;
	s29 =	sor.u32 $0x300, s11;
	s16 =	sor.u32 $0x200, s11  }
0xe: {  	s25 =	simm.s32 $0x4;
	s8 =	sshrl.u32 s8, $0x3;
	s15 =	sadd.s32 s26, s1  }
0xf: {  	s30 =	sshrl.u32 s29, $0x3;
	s10 =	smax.u32 s14, $0x1;
	s31 =	sshrl.u32 s16, $0x3  }
0x10: {  	s14 =	simm.s32 $0x5;
	s16 =	simm.s32 $0x50;
	s26 =	simm.s32 $0x0  }
0x11: {  	s13 =	sadd.s32 s8, s6;
	s6 =	sadd.s32 s12, s7;
	s7 =	sor.u32 $0x1C05, s28  }
0x12: {  	s11 =	sadd.s32 s30, s12;
	s12 =	sadd.s32 s31, s12;
	s8 =	sadd.s32 $0x20, s6  }
0x13: {  	s9 =	sadd.s32 $0x4C800, s13;
	s13 =	sshrl.u32 s15, $0x3;
	s15 =	simm.s32 $0x14000  }
.LBB2_1:
0x14: {  	[spmem:s13], [sflag:s7] =	dma.local [hbm:s5], $0x2800  }
0x15: {  	_ =	swait.ge [sflag:s14], $0x2800  }
0x16: {  	[sflag:s14] =	ssyncset.done $0x0  }
0x17: {  	[sflag:s14] =	ssyncadd.s32 $0xFFFFD800  }
0x18: {  	[bflag:$0x0] =	sbarrier.arrive $0xFFFF  }
0x19: {  	[tilespmem:s15], [sflag:$0x5] =	stream.linear.gather [hbm4b:s6+s3], $0x100, $0x38;
	[tilespmem:$0x19200] =	vst v63  }
0x1a: {  	_ =	swait.ge [sflag:s14], $0x100  }
0x1b: {  	[sflag:s14] =	ssyncset.done $0x0  }
0x1c: {  	[sflag:s14] =	ssyncadd.s32 $0xFFFFFF00  }
0x1d: {  	[tilespmem:s17], [sflag:$0x1] =	stream.indirect.gather [hbm4b:s4+s16], $0x80, s15, s16, $0xb8;
	[tilespmem:$0x19200] =	vst v63  }
0x1e: {  	_ = 	snop  }
0x1f: {  	[tilespmem:s18], [sflag:$0x5] =	stream.linear.gather [hbm4b:s8+s3], $0x100, $0x38;
	[tilespmem:$0x19200] =	vst v63  }
0x20: {  	_ =	swait.ge [sflag:s14], $0x100  }
0x21: {  	[sflag:s14] =	ssyncset.done $0x0  }
0x22: {  	[sflag:s14] =	ssyncadd.s32 $0xFFFFFF00  }
0x23: {  	[tilespmem:s19], [sflag:$0x2] =	stream.indirect.gather [hbm4b:s4+s16], $0x80, s18, s16, $0xb8;
	[tilespmem:$0x19200] =	vst v63  }
0x24: {  	_ =	swait.ge [sflag:s20], $0x2800  }
0x25: {  	[sflag:s20] =	ssyncset.done $0x0  }
0x26: {  	[sflag:s20] =	ssyncadd.s32 $0xFFFFD800  }
0x27: {  	[spmem:s1] =	stream.indirect.scatter.add.f32 [tilespmem:s17], [sflag:$0x5], $0x80, s21, s16, $0xb8;
	[tilespmem:$0x19200] =	vst v63  }
0x28: {  	_ =	swait.ge [sflag:s14], $0x2800  }
0x29: {  	[sflag:s14] =	ssyncset.done $0x0  }
0x2a: {  	s28 =	sadd.s32 $0x0, s12;
	[sflag:s14] =	ssyncadd.s32 $0xFFFFD800  }
0x2b: {  	[tilespmem:s15], [sflag:$0x3] =	stream.linear.gather [hbm4b:s28+s3], $0x100, $0x38;
	[tilespmem:$0x19200] =	vst v63  }
0x2c: {  	_ =	swait.ge [sflag:s22], $0x2800  }
0x2d: {  	[sflag:s22] =	ssyncset.done $0x0  }
0x2e: {  	[sflag:s22] =	ssyncadd.s32 $0xFFFFD800  }
0x2f: {  	[spmem:s1] =	stream.indirect.scatter.add.f32 [tilespmem:s19], [sflag:$0x5], $0x80, s23, s16, $0xb8;
	[tilespmem:$0x19200] =	vst v63  }
0x30: {  	_ =	swait.ge [sflag:s14], $0x2800  }
0x31: {  	[sflag:s14] =	ssyncset.done $0x0  }
0x32: {  	s28 =	sadd.s32 $0x0, s11;
	[sflag:s14] =	ssyncadd.s32 $0xFFFFD800  }
0x33: {  	[tilespmem:s18], [sflag:$0x4] =	stream.linear.gather [hbm4b:s28+s3], $0x100, $0x38;
	[tilespmem:$0x19200] =	vst v63  }
0x34: {  	_ =	swait.ge [sflag:s24], $0x100  }
0x35: {  	[sflag:s24] =	ssyncset.done $0x0  }
0x36: {  	[sflag:s24] =	ssyncadd.s32 $0xFFFFFF00  }
0x37: {  	[tilespmem:s17], [sflag:$0x1] =	stream.indirect.gather [hbm4b:s4+s16], $0x80, s15, s16, $0xb8;
	[tilespmem:$0x19200] =	vst v63  }
0x38: {  	_ =	swait.ge [sflag:s25], $0x100  }
0x39: {  	s28 =	simm.s32 $0x40;
	[sflag:s25] =	ssyncset.done $0x0  }
.LBB2_2:
0x3a: {  	p0 =	sne.s32 s28, $0xF40  }
0x3b: {  	[sflag:s25] =	ssyncadd.s32 $0xFFFFFF00;
	s29 =	smov.u32 s28;
	s28 =	sadd.s32 $0x40, s28  }
0x3c: {  	[tilespmem:s19], [sflag:$0x2] =	stream.indirect.gather [hbm4b:s4+s16], $0x80, s18, s16, $0xb8;
	[tilespmem:$0x19200] =	vst v63  }
0x3d: {  	_ =	swait.ge [sflag:s20], $0x2800  }
0x3e: {  	[sflag:s20] =	ssyncset.done $0x0  }
0x3f: {  	[sflag:s20] =	ssyncadd.s32 $0xFFFFD800  }
0x40: {  	[spmem:s1] =	stream.indirect.scatter.add.f32 [tilespmem:s17], [sflag:$0x5], $0x80, s21, s16, $0xb8;
	[tilespmem:$0x19200] =	vst v63  }
0x41: {  	_ =	swait.ge [sflag:s14], $0x2800  }
0x42: {  	[sflag:s14] =	ssyncset.done $0x0  }
0x43: {  	s30 =	sadd.s32 s29, s12;
	[sflag:s14] =	ssyncadd.s32 $0xFFFFD800  }
0x44: {  	[tilespmem:s15], [sflag:$0x3] =	stream.linear.gather [hbm4b:s30+s3], $0x100, $0x38;
	[tilespmem:$0x19200] =	vst v63  }
0x45: {  	_ =	swait.ge [sflag:s22], $0x2800  }
0x46: {  	[sflag:s22] =	ssyncset.done $0x0  }
0x47: {  	[sflag:s22] =	ssyncadd.s32 $0xFFFFD800  }
0x48: {  	[spmem:s1] =	stream.indirect.scatter.add.f32 [tilespmem:s19], [sflag:$0x5], $0x80, s23, s16, $0xb8;
	[tilespmem:$0x19200] =	vst v63  }
0x49: {  	_ =	swait.ge [sflag:s14], $0x2800  }
0x4a: {  	[sflag:s14] =	ssyncset.done $0x0  }
0x4b: {  	s29 =	sadd.s32 s29, s11;
	[sflag:s14] =	ssyncadd.s32 $0xFFFFD800  }
0x4c: {  	[tilespmem:s18], [sflag:$0x4] =	stream.linear.gather [hbm4b:s29+s3], $0x100, $0x38;
	[tilespmem:$0x19200] =	vst v63  }
0x4d: {  	_ =	swait.ge [sflag:s24], $0x100  }
.Ltmp0:
0x4e: {  	[sflag:s24] =	ssyncset.done $0x0;
	(pc) =	sbr.rel @p0 .LBB2_2-.Ltmp0, $4  }
0x4f: {  	[sflag:s24] =	ssyncadd.s32 $0xFFFFFF00  }
0x50: {  	[tilespmem:s17], [sflag:$0x1] =	stream.indirect.gather [hbm4b:s4+s16], $0x80, s15, s16, $0xb8;
	[tilespmem:$0x19200] =	vst v63  }
0x51: {  	_ =	swait.ge [sflag:s25], $0x100  }
0x52: {  	[sflag:s25] =	ssyncset.done $0x0  }
0x53: {  	[sflag:s25] =	ssyncadd.s32 $0xFFFFFF00  }
0x54: {  	_ =	swait.ge [sflag:s20], $0x2800  }
0x55: {  	[sflag:s20] =	ssyncset.done $0x0  }
0x56: {  	[sflag:s20] =	ssyncadd.s32 $0xFFFFD800  }
0x57: {  	[spmem:s1] =	stream.indirect.scatter.add.f32 [tilespmem:s17], [sflag:$0x5], $0x80, s21, s16, $0xb8;
	[tilespmem:$0x19200] =	vst v63  }
0x58: {  	_ =	swait.ge [sflag:s14], $0x2800  }
0x59: {  	s26 =	sadd.s32 $0x1, s26;
	[sflag:s14] =	ssyncset.done $0x0  }
0x5a: {  	p0 =	sne.s32 s26, s10;
	[sflag:s14] =	ssyncadd.s32 $0xFFFFD800  }
.Ltmp1:
0x5b: {  	[bflag:$0x0] =	sbarrier.arrive $0xFFFF;
	(pc) =	sbr.rel @p0 .LBB2_1-.Ltmp1, $4  }
0x5c: {  	[hbm:s9], [sflag:s7] =	dma.local [spmem:s13], $0x2800  }
0x5d: {  	_ =	swait.ge [sflag:s14], $0x2800  }
0x5e: {  	[sflag:s14] =	ssyncset.done $0x0  }
0x5f: {  	[sflag:s14] =	ssyncadd.s32 $0xFFFFD800  }
0x60: {  	_ =	sfence.sel $0x180000  }
0x61: {  	[bflag:$0x0] =	sbarrier.arrive $0xFFFF  }
0x62: {  	p0 =	sne.s32 s2, $0x0;
	_ =	strace $0x9000004D  }
0x63: {  	s0 =	sadd.s32 @!p0 $0x100000, s0;
	[bflag:$0x2] =	sbarrier.arrive $0xFFFF  }
0x64: {  	[sflag:s0] =	ssyncadd.tile.s32 @!p0 $0x1;
	_ =	shalt  }
.Lfunc_end2:
_tile_overlayer_lowered:
.L_overlay_start_2:
0x65: {  	(tag) =	ssettag $0x2  }
0x66: {  	s0 =	rddreg [dreg:$0x0];
	s2 =	stileid.u32  }
0x67: {  	s1 =	rddreg [dreg:$0x1];
	p0 =	sne.s32 s2, $0x0  }
0x68: {  	s3 =	rddreg [dreg:$0x2];
	[bflag:$0x3] =	sbarrier.arrive $0xFFFF;
	s2 =	simm.s32 @!p0 $0x1C05  }
0x69: {  	[timem:s3], [sflag:s2] =	dma.local @!p0 [hbm:s0], s1  }
0x6a: {  	s0 =	simm.s32 @!p0 $0x5  }
0x6b: {  	_ =	swait.ge @!p0 [sflag:s0], s1  }
0x6c: {  	s1 =	ssub.s32 @!p0 $0x0, s1;
	[sflag:s0] =	ssyncset.done @!p0 $0x0  }
0x6d: {  	[sflag:s0] =	ssyncadd.s32 @!p0 s1  }
0x6e: {  	[bflag:$0x3] =	sbarrier.arrive $0xFFFF  }
0x6f: {  	_ =	shalt  }

// kernel: kernel.8.cloned.1.call-start
scs
__scs_entry_jumppad:
0x0: {  	(pc) =	sbr.rel $0x88, $3  }
0x1: {  	(tag) =	ssettag $0x0;
	lr =	simm.s32 $0x1  }
0x2: {  	[smem:$0x3F97] =	sst lr;
	_ =	strace $0xD0000000  }
0x3: {  	_ = 	snop  }
0x4: {  	_ = 	snop  }
0x5: {  	_ = 	snop  }
0x6: {  	_ = 	snop  }
0x7: {  	_ = 	snop  }
__scs_overlays_trampoline_lowered:
0x8: {  	[smem:$0x3FA6] =	sst s0  }
0x9: {  	[smem:$0x3FA7] =	sst s1  }
0xa: {  	[smem:$0x3FA8] =	sst s2  }
0xb: {  	[smem:$0x3FA9] =	sst s3  }
0xc: {  	[smem:$0x3FAA] =	sst s4  }
0xd: {  	[smem:$0x3FAB] =	sst s5  }
0xe: {  	[smem:$0x3FAC] =	sst s6  }
0xf: {  	[smem:$0x3FAD] =	sst s7  }
0x10: {  	[smem:$0x3FAE] =	sst s8  }
0x11: {  	[smem:$0x3FAF] =	sst s9;
	s0 =	simm.s32 @!p0 $0x0  }
0x12: {  	s1 =	sld [smem:$0x3F95];
	s0 =	simm.s32 @p0 $0x1  }
0x13: {  	[smem:$0x3FB0] =	sst s0;
	s0 =	simm.s32 @!p1 $0x0  }
0x14: {  	s2 =	sld [smem:$0x3F94];
	s0 =	simm.s32 @p1 $0x1  }
0x15: {  	[smem:$0x3FB1] =	sst s0;
	s0 =	simm.s32 @!p2 $0x0  }
0x16: {  	s3 =	sld [smem:$0x3FDB];
	s0 =	simm.s32 @p2 $0x1  }
0x17: {  	s4 =	simm.s32 $0x1BF5;
	[smem:$0x3FB3] =	sst s0  }
0x18: {  	s0 =	sld [smem:$0x3F96];
	_ =	swait.ge [sflag:s4], $0x0  }
0x19: {  	s7 =	sld [smem:$0x3F97]  }
0x1a: {  	s8 =	sadd.s32 $0xFFFFE003, lr  }
0x1b: {  	s9 =	sadd.s32 $0xFFFFFEF7, lr;
	s5 =	simm.s32 $0xFFFFFFFF;
	p2 =	slt.u32 s8, $0xFFFFF086  }
0x1c: {  	p1 =	slt.u32 s9, $0xF7A;
	s5 =	simm.s32 @!p2 $0x0  }
0x1d: {  	s5 =	simm.s32 @p1 $0x1;
	p0 =	seq.s32 s7, s2  }
0x1e: {  	s7 =	smul.u32 @!p0 $0xF7A, s2;
	p2 =	seq.s32 @!p0 s5, $0x0  }
0x1f: {  	s9 =	smul.u32 $0xF7A, s1;
	s8 =	simm.s32 @!p0 $0x1BF5;
	p2 =	por !p2, p0  }
0x20: {  	[sflag:s8] =	ssyncset.s32 @!p0 $0xFFFFF086;
	s6 =	sadd.s32 @!p0 s3, s7;
	s7 =	simm.s32 @!p0 $0x108  }
0x21: {  	s3 =	sadd.s32 s3, s9;
	s6 =	sadd.s32 @!p0 $0x88, s6;
	s7 =	simm.s32 @p2 $0x1082  }
0x22: {  	[simem:s7], [sflag:s8] =	dma.local @!p0 [hbm:s6], $0xF7A  }
0x23: {  	s9 =	sor.u32 $0xD0000000, s2;
	s6 =	simm.s32 $0x108;
	_ =	swait.ge @!p0 [sflag:s8], $0x0  }
0x24: {  	s3 =	sadd.s32 $0x88, s3;
	s6 =	simm.s32 @!p1 $0x1082;
	[sflag:s4] =	ssyncset.s32 $0xFFFFF086  }
0x25: {  	[simem:s6], [sflag:s4] =	dma.local [hbm:s3], $0xF7A  }
0x26: {  	[smem:$0x3F97] =	sst s1;
	(tag) =	ssettag s2;
	_ =	strace s9  }
0x27: {  	s1 =	sld [smem:$0x3FA7]  }
0x28: {  	s2 =	sld [smem:$0x3FA8]  }
0x29: {  	s4 =	sld [smem:$0x3FAA]  }
0x2a: {  	p0 =	seq.s32 s5, $0x0;
	s5 =	sld [smem:$0x3FAB]  }
0x2b: {  	s6 =	sld [smem:$0x3FAC]  }
0x2c: {  	s7 =	sld [smem:$0x3FAD]  }
0x2d: {  	s3 =	simm.s32 $0x108;
	s8 =	sld [smem:$0x3FAE]  }
0x2e: {  	s3 =	simm.s32 @!p0 $0x1082;
	s9 =	sld [smem:$0x3FAF]  }
0x2f: {  	lr =	sadd.s32 s0, s3;
	s0 =	sld [smem:$0x3FA6]  }
0x30: {  	s3 =	sld [smem:$0x3FA9]  }
0x31: {  	[smem:$0x3FB2] =	sst s10  }
0x32: {  	s10 =	sld [smem:$0x3FB0];
	_ =	sdelay $0x3  }
0x33: {  	p0 =	seq.s32 s10, $0x1;
	s10 =	sld [smem:$0x3FB2];
	_ =	sdelay $0x3  }
0x34: {  	[smem:$0x3FB2] =	sst s10  }
0x35: {  	s10 =	sld [smem:$0x3FB1];
	_ =	sdelay $0x3  }
0x36: {  	p1 =	seq.s32 s10, $0x1;
	s10 =	sld [smem:$0x3FB2];
	_ =	sdelay $0x3  }
0x37: {  	[smem:$0x3FB2] =	sst s10  }
0x38: {  	s10 =	sld [smem:$0x3FB3]  }
0x39: {  	_ = 	snop;
	(pc) =	sbr.ind lr, $3  }
0x3a: {  	_ = 	snop  }
0x3b: {  	_ = 	snop  }
0x3c: {  	p2 =	seq.s32 s10, $0x1;
	s10 =	sld [smem:$0x3FB2]  }
0x3d: {  	_ =	shalt  }
0x3e: {  	_ =	shalt  }
0x3f: {  	_ =	shalt  }
0x40: {  	_ =	shalt  }
0x41: {  	_ =	shalt  }
0x42: {  	_ =	shalt  }
0x43: {  	_ =	shalt  }
0x44: {  	_ =	shalt  }
0x45: {  	_ =	shalt  }
0x46: {  	_ =	shalt  }
0x47: {  	_ =	shalt  }
0x48: {  	_ =	shalt  }
0x49: {  	_ =	shalt  }
0x4a: {  	_ =	shalt  }
0x4b: {  	_ =	shalt  }
0x4c: {  	_ =	shalt  }
0x4d: {  	_ =	shalt  }
0x4e: {  	_ =	shalt  }
0x4f: {  	_ =	shalt  }
0x50: {  	_ =	shalt  }
0x51: {  	_ =	shalt  }
0x52: {  	_ =	shalt  }
0x53: {  	_ =	shalt  }
0x54: {  	_ =	shalt  }
0x55: {  	_ =	shalt  }
0x56: {  	_ =	shalt  }
0x57: {  	_ =	shalt  }
0x58: {  	_ =	shalt  }
0x59: {  	_ =	shalt  }
0x5a: {  	_ =	shalt  }
0x5b: {  	_ =	shalt  }
0x5c: {  	_ =	shalt  }
0x5d: {  	_ =	shalt  }
0x5e: {  	_ =	shalt  }
0x5f: {  	_ =	shalt  }
0x60: {  	_ =	shalt  }
0x61: {  	_ =	shalt  }
0x62: {  	_ =	shalt  }
0x63: {  	_ =	shalt  }
0x64: {  	_ =	shalt  }
0x65: {  	_ =	shalt  }
0x66: {  	_ =	shalt  }
0x67: {  	_ =	shalt  }
0x68: {  	_ =	shalt  }
0x69: {  	_ =	shalt  }
0x6a: {  	_ =	shalt  }
0x6b: {  	_ =	shalt  }
0x6c: {  	_ =	shalt  }
0x6d: {  	_ =	shalt  }
0x6e: {  	_ =	shalt  }
0x6f: {  	_ =	shalt  }
0x70: {  	_ =	shalt  }
0x71: {  	_ =	shalt  }
0x72: {  	_ =	shalt  }
0x73: {  	_ =	shalt  }
0x74: {  	_ =	shalt  }
0x75: {  	_ =	shalt  }
0x76: {  	_ =	shalt  }
0x77: {  	_ =	shalt  }
0x78: {  	_ =	shalt  }
0x79: {  	_ =	shalt  }
0x7a: {  	_ =	shalt  }
0x7b: {  	_ =	shalt  }
0x7c: {  	_ =	shalt  }
0x7d: {  	_ =	shalt  }
0x7e: {  	_ =	shalt  }
0x7f: {  	_ =	shalt  }
0x80: {  	_ =	shalt  }
0x81: {  	_ =	shalt  }
0x82: {  	_ =	shalt  }
0x83: {  	_ =	shalt  }
0x84: {  	_ =	shalt  }
0x85: {  	_ =	shalt  }
0x86: {  	_ =	shalt  }
0x87: {  	_ =	shalt  }
.Lfunc_end0:
.L_simem_size_0:
called_computation_lowered:
.L_overlay_start_0:
0x88: {  	s2 =	sld [smem:$0x3FD9]  }
0x89: {  	s3 =	sld [smem:$0x3FFE];
	_ =	sdelay $0x1  }
0x8a: {  	s1 =	srdreg.scid  }
0x8b: {  	s0 =	sand.u32 $0x1, s1  }
0x8c: {  	s16 =	sshll.u32 s0, $0xA;
	s2 =	sadd.s32 s3, s2  }
0x8d: {  	s2 =	sadd.s32 s2, s16  }
0x8e: {  	[smem:$0x3FBE] =	sst s2  }
0x8f: {  	_ = 	snop  }
0x90: {  	(tm) =	ssettm $0x1  }
0x91: {  	s17 =	sld [smem:$0x3FFB];
	_ =	sdelay $0x3  }
0x92: {  	_ =	strace s17  }
0x93: {  	s2 =	sld [smem:$0x3FFC];
	_ =	sdelay $0x3  }
0x94: {  	_ =	strace s2  }
0x95: {  	s2 =	sld [smem:$0x3FFD];
	_ =	sdelay $0x3  }
0x96: {  	_ =	strace s2  }
0x97: {  	_ =	strace $0x8FFFFFFF  }
0x98: {  	s18 =	sld [smem:$0x3FDB];
	_ =	sdelay $0x1  }
0x99: {  	s19 =	simm.s32 $_scs_section_size  }
0x9a: {  	s4 =	simm.s32 $_size__tile_overlayer_lowered;
	s5 =	simm.s32 $_tile_overlayer_lowered  }
0x9b: {  	s22 =	simm.s32 $0x1BFF;
	s21 =	sshll.u32 s5, $0x1;
	s2 =	sadd.s32 s19, s18  }
0x9c: {  	s6 =	simm.s32 $0x0;
	s20 =	sshll.u32 s4, $0x1;
	s4 =	sadd.s32 s21, s2  }
0x9d: {  	[timem:s6], [sflag:s22] =	dma.local [hbm:s4], s20  }
0x9e: {  	_ =	swait.ge [sflag:s22], s20  }
0x9f: {  	s3 =	ssub.s32 $0x0, s20;
	[sflag:s22] =	ssyncset.done $0x0  }
0xa0: {  	[sflag:s22] =	ssyncadd.s32 s3;
	_ =	sdelay $0x1  }
0xa1: {  	s23 =	simm.s32 $0x1B8B  }
0xa2: {  	_ =	swait.ge [sflag:s23], $0x1  }
0xa3: {  	[sflag:s23] =	ssyncset.done $0x0  }
0xa4: {  	s25 =	simm.s32 $0x1B8E;
	s24 =	sld [smem:$0x3FFE];
	[sflag:s23] =	ssyncadd.s32 $0xFFFFFFFF  }
0xa5: {  	s26 =	simm.s32 $execute0_lowered;
	[smem:$0x3FD2] =	sst s25  }
0xa6: {  	s4 =	sshll.u32 s26, $0x1;
	_ =	strace $0x80000046;
	[dreg:$0x1] =	wrdreg $0xFFFFFFFF  }
0xa7: {  	s28 =	simm.s32 $_size_execute0_lowered;
	s2 =	sadd.s32 s2, s4;
	[dreg:$0x0] =	wrdreg $0x0  }
0xa8: {  	s4 =	sshll.u32 s28, $0x1;
	[dreg:$0x2] =	wrdreg s2  }
0xa9: {  	[dreg:$0x3] =	wrdreg s4  }
0xaa: {  	[dreg:$0x4] =	wrdreg $0xC0  }
0xab: {  	_ =	task [dreg:s6], $0x5FFFF  }
0xac: {  	[dreg:$0x1] =	wrdreg $0xFFFFFFFF  }
0xad: {  	[dreg:$0x0] =	wrdreg $0x60  }
0xae: {  	[dreg:$0x2] =	wrdreg s24  }
0xaf: {  	[dreg:$0x3] =	wrdreg $0x0  }
0xb0: {  	[dreg:$0x4] =	wrdreg $0x9  }
0xb1: {  	_ =	task.clear_ibuf [dreg:s6], $0x5FFFF;
	_ =	strace $0x90000046  }
0xb2: {  	s29 =	simm.s32 $0x9;
	_ =	strace $0x80000048  }
0xb3: {  	_ =	swait.ge [sflag:s29], $0x1  }
0xb4: {  	[sflag:s29] =	ssyncadd.s32 $0xFFFFFFFF  }
0xb5: {  	_ =	strace $0x90000048  }
0xb6: {  	_ =	sfence  }
0xb7: {  	s30 =	sld [smem:$0x0];
	_ =	sdelay $0x2  }
0xb8: {  	s31 =	sshll.u32 s1, $0xD;
	s1 =	sshrl.u32 s1, $0x2  }
0xb9: {  	s3 =	sand.u32 $0x4000, s31;
	s1 =	sadd.s32 s1, s30  }
0xba: {  	s0 =	sor.u32 s3, s0;
	s1 =	sshll.u32 s1, $0x11  }
0xbb: {  	s0 =	sor.u32 s1, s0  }
0xbc: {  	s0 =	sadd.s32 $0x8F2B, s0  }
0xbd: {  	[sflag:s0] =	ssyncadd.remote.s32 $0x1  }
0xbe: {  	_ =	sfence.sel $0xFFFF  }
0xbf: {  	[dreg:$0x0] =	wrdreg $0xFFFFFFFF;
	(pc) =	sbr.abs _section_cstart, $3  }
0xc0: {  	[dreg:$0x1] =	wrdreg $0xFFFFFFFF  }
0xc1: {  	_ =	task.clear_ibuf [dreg:s6], $0x2FFFF;
	_ =	strace $0x9FFFFFFF  }
0xc2: {  	(tm) =	ssettm $0x7FFFFFFF  }
0xc3: {  	_ =	shalt  }
tec
execute0_lowered:
.L_overlay_start_1:
0x0: {  	(tag) =	ssettag $0x1  }
0x1: {  	s6 =	rddreg [dreg:$0x0]  }
0x2: {  	s1 =	rddreg [dreg:$0x1]  }
0x3: {  	s0 =	rddreg [dreg:$0x2];
	s3 =	simm.s32 $0x0;
	s2 =	srdreg.scid  }
0x4: {  	s16 =	simm.s32 $0x14000;
	s17 =	simm.s32 $0x14100;
	s18 =	simm.s32 $0x50  }
0x5: {  	s19 =	simm.s32 $0x14080;
	s20 =	simm.s32 $0x2;
	s21 =	simm.s32 $0x14180  }
0x6: {  	s22 =	simm.s32 $0x1;
	s23 =	simm.s32 $0x0;
	[smem:$0x7FF] =	sst s3  }
0x7: {  	s7 =	sand.u32 $0x1, s2;
	s2 =	stileid.u32;
	s11 =	sadd.s32 $0x2800, s6  }
0x8: {  	s4 =	sadd.s32 $0x22800, s6;
	s5 =	sadd.s32 $0x22E00, s6;
	s8 =	smul.u32 $0x140000, s7  }
0x9: {  	_ =	strace $0x80000047;
	s9 =	smul.u32 $0x14000, s2;
	s10 =	sshll.u32 s7, $0xF  }
0xa: {  	s12 =	smul.u32 $0x50000, s2;
	s7 =	ssub.s32 $0x2, s7;
	s14 =	sshll.u32 s2, $0x6  }
0xb: {  	s25 =	sshll.u32 s2, $0x10;
	s28 =	sshrl.u32 s7, $0x1;
	s14 =	sor.u32 $0x1C03, s14  }
0xc: {  	s8 =	sadd.s32 s9, s8;
	s9 =	sor.u32 s10, s25;
	s12 =	sshrl.u32 s12, $0x2  }
0xd: {  	s10 =	ssub.s32 s7, s28;
	s8 =	sshrl.u32 s8, $0x3;
	s26 =	sshrl.u32 s9, $0x3  }
0xe: {  	s15 =	sadd.s32 s12, s1;
	s29 =	sor.u32 $0x300, s9;
	s13 =	sor.u32 $0x200, s9  }
0xf: {  	s9 =	smax.u32 s10, $0x1;
	s12 =	simm.s32 $0x14200;
	s8 =	sadd.s32 s8, s6  }
0x10: {  	s6 =	sadd.s32 s11, s26;
	s30 =	sshrl.u32 s29, $0x3;
	s31 =	sshrl.u32 s13, $0x3  }
0x11: {  	s13 =	simm.s32 $0x3;
	s15 =	sshrl.u32 s15, $0x3;
	s7 =	sadd.s32 $0x20, s6  }
0x12: {  	s8 =	sadd.s32 $0x25600, s8;
	s10 =	sadd.s32 s30, s11;
	s11 =	sadd.s32 s31, s11  }
.LBB2_1:
0x13: {  	[tilespmem:s12], [sflag:$0x3] =	stream.linear.gather [hbm4b:s4+s3], $0x2800, $0x38;
	[tilespmem:$0x16A00] =	vst v63  }
0x14: {  	_ =	swait.ge [sflag:s13], $0x2800  }
0x15: {  	[sflag:s13] =	ssyncset.done $0x0  }
0x16: {  	[sflag:s13] =	ssyncadd.s32 $0xFFFFD800  }
0x17: {  	[spmem:s15], [sflag:s14] =	dma.local [hbm:s5], $0x2800  }
0x18: {  	_ =	swait.ge [sflag:s13], $0x2800  }
0x19: {  	[sflag:s13] =	ssyncset.done $0x0  }
0x1a: {  	[sflag:s13] =	ssyncadd.s32 $0xFFFFD800  }
0x1b: {  	[bflag:$0x0] =	sbarrier.arrive $0xFFFF  }
0x1c: {  	[tilespmem:s16], [sflag:$0x3] =	stream.linear.gather [hbm4b:s6+s3], $0x100, $0x38;
	[tilespmem:$0x16A00] =	vst v63  }
0x1d: {  	_ =	swait.ge [sflag:s13], $0x100  }
0x1e: {  	[sflag:s13] =	ssyncset.done $0x0  }
0x1f: {  	[sflag:s13] =	ssyncadd.s32 $0xFFFFFF00  }
0x20: {  	[tilespmem:s17], [sflag:$0x2] =	stream.linear.gather [hbm4b:s7+s3], $0x100, $0x38;
	[tilespmem:$0x16A00] =	vst v63  }
0x21: {  	_ = 	snop  }
0x22: {  	[spmem:s1] =	stream.indirect.scatter.add.f32 [tilespmem:s12], [sflag:$0x3], $0x80, s19, s18, $0xb8;
	[tilespmem:$0x16A00] =	vst v63  }
0x23: {  	_ =	swait.ge [sflag:s13], $0x2800  }
0x24: {  	[sflag:s13] =	ssyncset.done $0x0  }
0x25: {  	s24 =	sadd.s32 $0x0, s11;
	[sflag:s13] =	ssyncadd.s32 $0xFFFFD800  }
0x26: {  	[tilespmem:s16], [sflag:$0x1] =	stream.linear.gather [hbm4b:s24+s3], $0x100, $0x38;
	[tilespmem:$0x16A00] =	vst v63  }
0x27: {  	_ =	swait.ge [sflag:s20], $0x100  }
0x28: {  	[sflag:s20] =	ssyncset.done $0x0  }
0x29: {  	[sflag:s20] =	ssyncadd.s32 $0xFFFFFF00  }
0x2a: {  	[spmem:s1] =	stream.indirect.scatter.add.f32 [tilespmem:s12], [sflag:$0x3], $0x80, s21, s18, $0xb8;
	[tilespmem:$0x16A00] =	vst v63  }
0x2b: {  	_ =	swait.ge [sflag:s13], $0x2800  }
0x2c: {  	[sflag:s13] =	ssyncset.done $0x0  }
0x2d: {  	s31 =	sadd.s32 $0x0, s10;
	[sflag:s13] =	ssyncadd.s32 $0xFFFFD800  }
0x2e: {  	[tilespmem:s17], [sflag:$0x2] =	stream.linear.gather [hbm4b:s31+s3], $0x100, $0x38;
	[tilespmem:$0x16A00] =	vst v63  }
0x2f: {  	_ =	swait.ge [sflag:s22], $0x100  }
0x30: {  	s24 =	simm.s32 $0x40;
	[sflag:s22] =	ssyncset.done $0x0  }
.LBB2_2:
0x31: {  	p0 =	sne.s32 s24, $0xF40  }
0x32: {  	[sflag:s22] =	ssyncadd.s32 $0xFFFFFF00;
	s25 =	smov.u32 s24;
	s24 =	sadd.s32 $0x40, s24  }
0x33: {  	[spmem:s1] =	stream.indirect.scatter.add.f32 [tilespmem:s12], [sflag:$0x3], $0x80, s19, s18, $0xb8;
	[tilespmem:$0x16A00] =	vst v63  }
0x34: {  	_ =	swait.ge [sflag:s13], $0x2800  }
0x35: {  	[sflag:s13] =	ssyncset.done $0x0  }
0x36: {  	s26 =	sadd.s32 s25, s11;
	[sflag:s13] =	ssyncadd.s32 $0xFFFFD800  }
0x37: {  	[tilespmem:s16], [sflag:$0x1] =	stream.linear.gather [hbm4b:s26+s3], $0x100, $0x38;
	[tilespmem:$0x16A00] =	vst v63  }
0x38: {  	_ =	swait.ge [sflag:s20], $0x100  }
0x39: {  	[sflag:s20] =	ssyncset.done $0x0  }
0x3a: {  	[sflag:s20] =	ssyncadd.s32 $0xFFFFFF00  }
0x3b: {  	[spmem:s1] =	stream.indirect.scatter.add.f32 [tilespmem:s12], [sflag:$0x3], $0x80, s21, s18, $0xb8;
	[tilespmem:$0x16A00] =	vst v63  }
0x3c: {  	_ =	swait.ge [sflag:s13], $0x2800  }
.Ltmp0:
0x3d: {  	[sflag:s13] =	ssyncset.done $0x0;
	(pc) =	sbr.rel @p0 .LBB2_2-.Ltmp0, $4  }
0x3e: {  	s25 =	sadd.s32 s25, s10;
	[sflag:s13] =	ssyncadd.s32 $0xFFFFD800  }
0x3f: {  	[tilespmem:s17], [sflag:$0x2] =	stream.linear.gather [hbm4b:s25+s3], $0x100, $0x38;
	[tilespmem:$0x16A00] =	vst v63  }
0x40: {  	_ =	swait.ge [sflag:s22], $0x100  }
0x41: {  	[sflag:s22] =	ssyncset.done $0x0  }
0x42: {  	[sflag:s22] =	ssyncadd.s32 $0xFFFFFF00  }
0x43: {  	[spmem:s1] =	stream.indirect.scatter.add.f32 [tilespmem:s12], [sflag:$0x3], $0x80, s19, s18, $0xb8;
	[tilespmem:$0x16A00] =	vst v63  }
0x44: {  	_ =	swait.ge [sflag:s13], $0x2800  }
0x45: {  	[sflag:s13] =	ssyncset.done $0x0  }
0x46: {  	[sflag:s13] =	ssyncadd.s32 $0xFFFFD800  }
0x47: {  	_ =	swait.ge [sflag:s20], $0x100  }
0x48: {  	s23 =	sadd.s32 $0x1, s23;
	[sflag:s20] =	ssyncset.done $0x0  }
0x49: {  	p0 =	sne.s32 s23, s9;
	[sflag:s20] =	ssyncadd.s32 $0xFFFFFF00  }
.Ltmp1:
0x4a: {  	[bflag:$0x0] =	sbarrier.arrive $0xFFFF;
	(pc) =	sbr.rel @p0 .LBB2_1-.Ltmp1, $4  }
0x4b: {  	[hbm:s8], [sflag:s14] =	dma.local [spmem:s15], $0x2800  }
0x4c: {  	_ =	swait.ge [sflag:s13], $0x2800  }
0x4d: {  	[sflag:s13] =	ssyncset.done $0x0  }
0x4e: {  	[sflag:s13] =	ssyncadd.s32 $0xFFFFD800  }
0x4f: {  	_ =	sfence.sel $0x180000  }
0x50: {  	[bflag:$0x0] =	sbarrier.arrive $0xFFFF  }
0x51: {  	p0 =	sne.s32 s2, $0x0;
	_ =	strace $0x90000047  }
0x52: {  	s0 =	sadd.s32 @!p0 $0x100000, s0;
	[bflag:$0x2] =	sbarrier.arrive $0xFFFF  }
0x53: {  	[sflag:s0] =	ssyncadd.tile.s32 @!p0 $0x1;
	_ =	shalt  }
.Lfunc_end2:
_tile_overlayer_lowered:
.L_overlay_start_2:
0x54: {  	(tag) =	ssettag $0x2  }
0x55: {  	s0 =	rddreg [dreg:$0x0];
	s2 =	stileid.u32  }
0x56: {  	s1 =	rddreg [dreg:$0x1];
	p0 =	sne.s32 s2, $0x0  }
0x57: {  	s3 =	rddreg [dreg:$0x2];
	[bflag:$0x3] =	sbarrier.arrive $0xFFFF;
	s2 =	simm.s32 @!p0 $0x1C03  }
0x58: {  	[timem:s3], [sflag:s2] =	dma.local @!p0 [hbm:s0], s1  }
0x59: {  	s0 =	simm.s32 @!p0 $0x3  }
0x5a: {  	_ =	swait.ge @!p0 [sflag:s0], s1  }
0x5b: {  	s1 =	ssub.s32 @!p0 $0x0, s1;
	[sflag:s0] =	ssyncset.done @!p0 $0x0  }
0x5c: {  	[sflag:s0] =	ssyncadd.s32 @!p0 s1  }
0x5d: {  	[bflag:$0x3] =	sbarrier.arrive $0xFFFF  }
0x5e: {  	_ =	shalt  }

</sc_bundles>
